<compile_context>
chip_gen: v7x
topology: tpu7x:2x2x1
jax: 0.10.2.dev20260603
libtpu: 0.0.44.dev20260713+nightly
codegen_flags: <defaults>
</compile_context>

<pallas_src>
import functools

import jax
import jax.numpy as jnp
from jax.experimental import pallas as pl
from jax.experimental.pallas import tpu as pltpu
from jax.experimental.pallas import tpu_sc as plsc

B = 16384
D = 64
LANES = 128
NC = 2
NS = 16
NW = NC * NS
RPW = B // NW
CHUNK = 128
NCHUNK = RPW // CHUNK
HALF = RPW // 2


def _sc_gather_body(idx2_u, idx2_m, users2d, movies2d,
                    lmf_uw, lmf_mw, mlp_uw, mlp_mw, b_u, b_m,
                    gu_out, gm_out, gmu_out, gmm_out, gub_out, gmb_out,
                    iu, im, uv, mv, buf_a, buf_b, bias_buf, sem_a, sem_b,
                    sem_c):
    wid = jax.lax.axis_index("s") * NC + jax.lax.axis_index("c")
    base = wid * RPW

    pltpu.sync_copy(idx2_u.at[pl.ds(wid * NCHUNK, NCHUNK)], iu)
    pltpu.sync_copy(idx2_m.at[pl.ds(wid * NCHUNK, NCHUNK)], im)
    pltpu.sync_copy(users2d.at[pl.ds(wid * NCHUNK, NCHUNK)], uv)
    pltpu.sync_copy(movies2d.at[pl.ds(wid * NCHUNK, NCHUNK)], mv)

    bias_cps = [
        pltpu.async_copy(b_u.at[uv.at[j]], bias_buf.at[j], sem_c)
        for j in range(NCHUNK)
    ] + [
        pltpu.async_copy(b_m.at[mv.at[j]], bias_buf.at[NCHUNK + j], sem_c)
        for j in range(NCHUNK)
    ]

    stages = []
    for table, idx, out in ((lmf_uw, iu, gu_out), (mlp_uw, iu, gmu_out),
                            (lmf_mw, im, gm_out), (mlp_mw, im, gmm_out)):
        for h in range(2):
            stages.append((table, idx, out, h))

    def fire(stage, buf, sem):
        table, idx, _, h = stage
        return [
            pltpu.async_copy(table.at[idx.at[h * 2 + j]],
                             buf.at[pl.ds(j * CHUNK, CHUNK)], sem)
            for j in range(2)
        ]

    def drain_write(stage, buf, cps):
        _, _, out, h = stage
        for c in cps:
            c.wait()
        pltpu.sync_copy(buf, out.at[pl.ds(base + h * HALF, HALF)])

    bufs = (buf_a, buf_b)
    sems = (sem_a, sem_b)
    cps = [None, None]
    cps[0] = fire(stages[0], buf_a, sem_a)
    cps[1] = fire(stages[1], buf_b, sem_b)
    for s in range(len(stages)):
        slot = s % 2
        drain_write(stages[s], bufs[slot], cps[slot])
        if s + 2 < len(stages):
            cps[slot] = fire(stages[s + 2], bufs[slot], sems[slot])

    for c in bias_cps:
        c.wait()
    pltpu.sync_copy(bias_buf.at[pl.ds(0, NCHUNK)],
                    gub_out.at[pl.ds(wid * NCHUNK, NCHUNK)])
    pltpu.sync_copy(bias_buf.at[pl.ds(NCHUNK, NCHUNK)],
                    gmb_out.at[pl.ds(wid * NCHUNK, NCHUNK)])


_sc_gather = functools.partial(
    pl.kernel,
    out_type=[
        jax.ShapeDtypeStruct((B, LANES), jnp.float32),
        jax.ShapeDtypeStruct((B, LANES), jnp.float32),
        jax.ShapeDtypeStruct((B, LANES), jnp.float32),
        jax.ShapeDtypeStruct((B, LANES), jnp.float32),
        jax.ShapeDtypeStruct((B // LANES, LANES), jnp.float32),
        jax.ShapeDtypeStruct((B // LANES, LANES), jnp.float32),
    ],
    mesh=plsc.VectorSubcoreMesh(
        core_axis_name="c", subcore_axis_name="s", num_cores=NC,
        num_subcores=NS),
    scratch_types=[
        pltpu.VMEM((NCHUNK, CHUNK), jnp.int32),
        pltpu.VMEM((NCHUNK, CHUNK), jnp.int32),
        pltpu.VMEM((NCHUNK, CHUNK), jnp.int32),
        pltpu.VMEM((NCHUNK, CHUNK), jnp.int32),
        pltpu.VMEM((HALF, LANES), jnp.float32),
        pltpu.VMEM((HALF, LANES), jnp.float32),
        pltpu.VMEM((2 * NCHUNK, CHUNK), jnp.float32),
        pltpu.SemaphoreType.DMA,
        pltpu.SemaphoreType.DMA,
        pltpu.SemaphoreType.DMA,
    ],
)(_sc_gather_body)


RB = 2048


def _tc_dense_body(users, movies, gu, gm, gmu, gmm, ub, mb,
                   W1, b1, W2, b2, W3, b3, Wf, bf, out):
    pu = (users[...] & 1) == 1
    pm = (movies[...] & 1) == 1

    def half(g, p):
        return jnp.where(p, g[:, D:], g[:, :D])

    uw = half(gu[...], pu)
    mw = half(gm[...], pm)
    mlp_u = half(gmu[...], pu)
    mlp_m = half(gmm[...], pm)

    lmf = jax.nn.sigmoid(jnp.sum(uw * mw, axis=1, keepdims=True)
                         + ub[...] + mb[...])
    h = jnp.dot(mlp_u, W1[0:D, :], preferred_element_type=jnp.float32)
    h += jnp.dot(mlp_m, W1[D:2 * D, :], preferred_element_type=jnp.float32)
    h = jax.nn.relu(h + b1[...])
    h = jax.nn.relu(jnp.dot(h, W2[...], preferred_element_type=jnp.float32)
                    + b2[...])
    mlp = jax.nn.sigmoid(
        jnp.dot(h, W3[...], preferred_element_type=jnp.float32) + b3[...])
    x = jax.nn.sigmoid(lmf * Wf[0, 0] + mlp * Wf[1, 0] + bf[0, 0])
    out[...] = x * 4.5 + 0.5


def _tc_dense(users, movies, gu, gm, gmu, gmm, ub, mb,
              W1, b1, W2, b2, W3, b3, Wf, bf):
    row = lambda i: (i, 0)
    rep = lambda i: (0, 0)
    return pl.pallas_call(
        _tc_dense_body,
        grid=(B // RB,),
        in_specs=[
            pl.BlockSpec((RB, 1), row),
            pl.BlockSpec((RB, 1), row),
            pl.BlockSpec((RB, LANES), row),
            pl.BlockSpec((RB, LANES), row),
            pl.BlockSpec((RB, LANES), row),
            pl.BlockSpec((RB, LANES), row),
            pl.BlockSpec((RB, 1), row),
            pl.BlockSpec((RB, 1), row),
            pl.BlockSpec((2 * D, D), rep),
            pl.BlockSpec((1, D), rep),
            pl.BlockSpec((D, 16), rep),
            pl.BlockSpec((1, 16), rep),
            pl.BlockSpec((16, 1), rep),
            pl.BlockSpec((1, 1), rep),
            pl.BlockSpec((2, 1), rep),
            pl.BlockSpec((1, 1), rep),
        ],
        out_specs=pl.BlockSpec((RB, 1), row),
        out_shape=jax.ShapeDtypeStruct((B, 1), jnp.float32),
    )(users, movies, gu, gm, gmu, gmm, ub, mb,
      W1, b1, W2, b2, W3, b3, Wf, bf)


def kernel(users, movies, lmf_user_w, lmf_user_b, lmf_movie_w, lmf_movie_b,
           mlp_user_w, mlp_movie_w, W1, b1, W2, b2, W3, b3, Wf, bf):
    users = users.astype(jnp.int32)
    movies = movies.astype(jnp.int32)
    grid2 = (B // CHUNK, CHUNK)
    idx2_u = (users >> 1).reshape(grid2)
    idx2_m = (movies >> 1).reshape(grid2)

    NU = 1000000
    NM = 100000
    gu, gm, gmu, gmm, gub, gmb = _sc_gather(
        idx2_u, idx2_m, users.reshape(grid2), movies.reshape(grid2),
        lmf_user_w.reshape(NU // 2, 2 * D),
        lmf_movie_w.reshape(NM // 2, 2 * D),
        mlp_user_w.reshape(NU // 2, 2 * D),
        mlp_movie_w.reshape(NM // 2, 2 * D),
        lmf_user_b.T.reshape(-1), lmf_movie_b.T.reshape(-1))

    return _tc_dense(
        users.reshape(B, 1), movies.reshape(B, 1),
        gu, gm, gmu, gmm, gub.reshape(B, 1), gmb.reshape(B, 1),
        W1, b1.reshape(1, D), W2, b2.reshape(1, 16), W3, b3.reshape(1, 1),
        Wf, bf.reshape(1, 1))

# --- scband reference (transcript-rebuilt; emitter-appended) ---
"""Pipeline reference for scband-neu-mf-86930138071044 (READ-ONLY COPY).

The authoritative reference and input builder live on the scoring server;
editing this copy changes nothing except your own understanding.
"""

import jax, jax.numpy as jnp
import numpy as np

NUM_USERS = 1000000
NUM_MOVIES = 100000
NUM_LATENT = 64
BATCH = 16384
MIN_RATING = 0.5
MAX_RATING = 5.0


def setup_inputs(seed: int = 0) -> dict:
    key = jax.random.key(seed)
    ks = jax.random.split(key, 16)
    users = jax.random.randint(ks[0], (BATCH,), 0, NUM_USERS, dtype=jnp.int64 if jax.config.jax_enable_x64 else jnp.int32)
    movies = jax.random.randint(ks[1], (BATCH,), 0, NUM_MOVIES, dtype=jnp.int64 if jax.config.jax_enable_x64 else jnp.int32)
    s = 0.05
    lmf_user_w = jax.random.normal(ks[2], (NUM_USERS, NUM_LATENT), dtype=jnp.float32) * s
    lmf_user_b = jax.random.normal(ks[3], (NUM_USERS, 1), dtype=jnp.float32) * s
    lmf_movie_w = jax.random.normal(ks[4], (NUM_MOVIES, NUM_LATENT), dtype=jnp.float32) * s
    lmf_movie_b = jax.random.normal(ks[5], (NUM_MOVIES, 1), dtype=jnp.float32) * s
    mlp_user_w = jax.random.normal(ks[6], (NUM_USERS, NUM_LATENT), dtype=jnp.float32) * s
    mlp_movie_w = jax.random.normal(ks[7], (NUM_MOVIES, NUM_LATENT), dtype=jnp.float32) * s
    W1 = jax.random.normal(ks[8], (2 * NUM_LATENT, 64), dtype=jnp.float32) * (2.0 / (2 * NUM_LATENT)) ** 0.5
    b1 = jnp.zeros((64,), dtype=jnp.float32)
    W2 = jax.random.normal(ks[9], (64, 16), dtype=jnp.float32) * (2.0 / 64) ** 0.5
    b2 = jnp.zeros((16,), dtype=jnp.float32)
    W3 = jax.random.normal(ks[10], (16, 1), dtype=jnp.float32) * (2.0 / 16) ** 0.5
    b3 = jnp.zeros((1,), dtype=jnp.float32)
    Wf = jax.random.normal(ks[11], (2, 1), dtype=jnp.float32) * 1.0
    bf = jnp.zeros((1,), dtype=jnp.float32)
    return {
        'users': users, 'movies': movies,
        'lmf_user_w': lmf_user_w, 'lmf_user_b': lmf_user_b,
        'lmf_movie_w': lmf_movie_w, 'lmf_movie_b': lmf_movie_b,
        'mlp_user_w': mlp_user_w, 'mlp_movie_w': mlp_movie_w,
        'W1': W1, 'b1': b1, 'W2': W2, 'b2': b2, 'W3': W3, 'b3': b3,
        'Wf': Wf, 'bf': bf,
    }


def reference(users, movies, lmf_user_w, lmf_user_b, lmf_movie_w, lmf_movie_b,
              mlp_user_w, mlp_movie_w, W1, b1, W2, b2, W3, b3, Wf, bf):
    # LMF (GMF-style) branch: embedding gathers + dot + biases
    uw = jnp.take(lmf_user_w, users, axis=0)      # [B, d]
    ub = jnp.take(lmf_user_b, users, axis=0)      # [B, 1]
    mw = jnp.take(lmf_movie_w, movies, axis=0)    # [B, d]
    mb = jnp.take(lmf_movie_b, movies, axis=0)    # [B, 1]
    lmf_x = jnp.sum(uw * mw, axis=1, keepdims=True)  # Dot(axes=1) -> [B, 1]
    lmf_x = lmf_x + ub + mb
    lmf_x = jax.nn.sigmoid(lmf_x)
    # MLP branch
    mlp_u = jnp.take(mlp_user_w, users, axis=0)
    mlp_m = jnp.take(mlp_movie_w, movies, axis=0)
    mlp_x = jnp.concatenate([mlp_u, mlp_m], axis=1)  # [B, 2d]
    mlp_x = jax.nn.relu(mlp_x @ W1 + b1)
    mlp_x = jax.nn.relu(mlp_x @ W2 + b2)
    mlp_x = jax.nn.sigmoid(mlp_x @ W3 + b3)          # [B, 1]
    # Fusion
    x = jnp.concatenate([lmf_x, mlp_x], axis=1)       # [B, 2]
    x = jax.nn.sigmoid(x @ Wf + bf)                   # [B, 1]
    out = x * (MAX_RATING - MIN_RATING) + MIN_RATING  # LambdaLayer
    return out

if __name__ == "__main__":
    import jax
    _d = setup_inputs()
    print(jax.jit(kernel)(*tuple(_d.values())))

</pallas_src>

<mosaic_0001>
#map = affine_map<(d0, d1) -> (0, 0)>
#map1 = affine_map<(d0, d1) -> (0)>
module attributes {stable_mosaic.version = 14 : i64} {
  func.func @_sc_gather_body(%arg0: i32, %arg1: i32, %arg2: memref<128x128xi32, #tpu.memory_space<hbm>>, %arg3: memref<128x128xi32, #tpu.memory_space<hbm>>, %arg4: memref<128x128xi32, #tpu.memory_space<hbm>>, %arg5: memref<128x128xi32, #tpu.memory_space<hbm>>, %arg6: memref<500000x128xf32, #tpu.memory_space<hbm>>, %arg7: memref<50000x128xf32, #tpu.memory_space<hbm>>, %arg8: memref<500000x128xf32, #tpu.memory_space<hbm>>, %arg9: memref<50000x128xf32, #tpu.memory_space<hbm>>, %arg10: memref<1000000xf32, #tpu.memory_space<hbm>>, %arg11: memref<100000xf32, #tpu.memory_space<hbm>>, %arg12: memref<16384x128xf32, #tpu.memory_space<hbm>>, %arg13: memref<16384x128xf32, #tpu.memory_space<hbm>>, %arg14: memref<16384x128xf32, #tpu.memory_space<hbm>>, %arg15: memref<16384x128xf32, #tpu.memory_space<hbm>>, %arg16: memref<128x128xf32, #tpu.memory_space<hbm>>, %arg17: memref<128x128xf32, #tpu.memory_space<hbm>>, %arg18: memref<4x128xi32, #tpu.memory_space<vmem>>, %arg19: memref<4x128xi32, #tpu.memory_space<vmem>>, %arg20: memref<4x128xi32, #tpu.memory_space<vmem>>, %arg21: memref<4x128xi32, #tpu.memory_space<vmem>>, %arg22: memref<256x128xf32, #tpu.memory_space<vmem>>, %arg23: memref<256x128xf32, #tpu.memory_space<vmem>>, %arg24: memref<8x128xf32, #tpu.memory_space<vmem>>, %arg25: memref<!tpu.dma_semaphore, #tpu.memory_space<semaphore_mem>>, %arg26: memref<!tpu.dma_semaphore, #tpu.memory_space<semaphore_mem>>, %arg27: memref<!tpu.dma_semaphore, #tpu.memory_space<semaphore_mem>>) attributes {dimension_semantics = [#tpu.dimension_semantics<core_parallel>, #tpu.dimension_semantics<subcore_parallel>], iteration_bounds = array<i64: 2, 16>, scalar_prefetch = 0 : i64, scratch_operands = 10 : i64, tpu.core_type = #tpu.core_type<sc_vector_subcore>, window_params = [{transform_indices = #map}, {transform_indices = #map}, {transform_indices = #map}, {transform_indices = #map}, {transform_indices = #map}, {transform_indices = #map}, {transform_indices = #map}, {transform_indices = #map}, {transform_indices = #map1}, {transform_indices = #map1}, {transform_indices = #map}, {transform_indices = #map}, {transform_indices = #map}, {transform_indices = #map}, {transform_indices = #map}, {transform_indices = #map}]} {
    %mul3A = arith.constant 2 : i32
    %mul3A_0 = arith.muli %arg1, %mul3A : i32
    %add3A = arith.addi %mul3A_0, %arg0 : i32
    %mul3A_1 = arith.constant 512 : i32
    %mul3A_2 = arith.muli %add3A, %mul3A_1 : i32
    %mul3A_3 = arith.constant 4 : i32
    %mul3A_4 = arith.muli %add3A, %mul3A_3 : i32
    "tpu.region"() ({
      %run_scoped3A = tpu.sem_alloc : memref<!tpu.dma_semaphore, #tpu.memory_space<semaphore_mem>>
      %dma_start3A_509 = arith.constant 0 : i32
      %dma_start3A_510 = tpu.memref_slice %arg2[%mul3A_4, %dma_start3A_509] : memref<128x128xi32, #tpu.memory_space<hbm>> -> memref<4x128xi32, #tpu.memory_space<hbm>>
      %dma_start3A_511 = arith.constant 0 : i32
      %dma_start3A_512 = tpu.memref_slice %arg2[%mul3A_4, %dma_start3A_511] : memref<128x128xi32, #tpu.memory_space<hbm>> -> memref<4x128xi32, #tpu.memory_space<hbm>>
      tpu.enqueue_dma source(%dma_start3A_512 : memref<4x128xi32, #tpu.memory_space<hbm>>) target(%arg18 : memref<4x128xi32, #tpu.memory_space<vmem>>) target_semaphore(%run_scoped3A : memref<!tpu.dma_semaphore, #tpu.memory_space<semaphore_mem>>)
      %dma_wait3A_513 = arith.constant 0 : i32
      %dma_wait3A_514 = tpu.memref_slice %arg2[%mul3A_4, %dma_wait3A_513] : memref<128x128xi32, #tpu.memory_space<hbm>> -> memref<4x128xi32, #tpu.memory_space<hbm>>
      %dma_wait3A_515 = arith.constant 0 : i32
      %dma_wait3A_516 = tpu.memref_slice %arg2[%mul3A_4, %dma_wait3A_515] : memref<128x128xi32, #tpu.memory_space<hbm>> -> memref<4x128xi32, #tpu.memory_space<hbm>>
      tpu.wait_dma2 semaphore(%run_scoped3A : memref<!tpu.dma_semaphore, #tpu.memory_space<semaphore_mem>>) src(%dma_wait3A_516 : memref<4x128xi32, #tpu.memory_space<hbm>>) dst(%arg18 : memref<4x128xi32, #tpu.memory_space<vmem>>)
      tpu.yield
    }) : () -> ()
    %mul3A_5 = arith.constant 4 : i32
    %mul3A_6 = arith.muli %add3A, %mul3A_5 : i32
    "tpu.region"() ({
      %run_scoped3A = tpu.sem_alloc : memref<!tpu.dma_semaphore, #tpu.memory_space<semaphore_mem>>
      %dma_start3A_509 = arith.constant 0 : i32
      %dma_start3A_510 = tpu.memref_slice %arg3[%mul3A_6, %dma_start3A_509] : memref<128x128xi32, #tpu.memory_space<hbm>> -> memref<4x128xi32, #tpu.memory_space<hbm>>
      %dma_start3A_511 = arith.constant 0 : i32
      %dma_start3A_512 = tpu.memref_slice %arg3[%mul3A_6, %dma_start3A_511] : memref<128x128xi32, #tpu.memory_space<hbm>> -> memref<4x128xi32, #tpu.memory_space<hbm>>
      tpu.enqueue_dma source(%dma_start3A_512 : memref<4x128xi32, #tpu.memory_space<hbm>>) target(%arg19 : memref<4x128xi32, #tpu.memory_space<vmem>>) target_semaphore(%run_scoped3A : memref<!tpu.dma_semaphore, #tpu.memory_space<semaphore_mem>>)
      %dma_wait3A_513 = arith.constant 0 : i32
      %dma_wait3A_514 = tpu.memref_slice %arg3[%mul3A_6, %dma_wait3A_513] : memref<128x128xi32, #tpu.memory_space<hbm>> -> memref<4x128xi32, #tpu.memory_space<hbm>>
      %dma_wait3A_515 = arith.constant 0 : i32
      %dma_wait3A_516 = tpu.memref_slice %arg3[%mul3A_6, %dma_wait3A_515] : memref<128x128xi32, #tpu.memory_space<hbm>> -> memref<4x128xi32, #tpu.memory_space<hbm>>
      tpu.wait_dma2 semaphore(%run_scoped3A : memref<!tpu.dma_semaphore, #tpu.memory_space<semaphore_mem>>) src(%dma_wait3A_516 : memref<4x128xi32, #tpu.memory_space<hbm>>) dst(%arg19 : memref<4x128xi32, #tpu.memory_space<vmem>>)
      tpu.yield
    }) : () -> ()
    %mul3A_7 = arith.constant 4 : i32
    %mul3A_8 = arith.muli %add3A, %mul3A_7 : i32
    "tpu.region"() ({
      %run_scoped3A = tpu.sem_alloc : memref<!tpu.dma_semaphore, #tpu.memory_space<semaphore_mem>>
      %dma_start3A_509 = arith.constant 0 : i32
      %dma_start3A_510 = tpu.memref_slice %arg4[%mul3A_8, %dma_start3A_509] : memref<128x128xi32, #tpu.memory_space<hbm>> -> memref<4x128xi32, #tpu.memory_space<hbm>>
      %dma_start3A_511 = arith.constant 0 : i32
      %dma_start3A_512 = tpu.memref_slice %arg4[%mul3A_8, %dma_start3A_511] : memref<128x128xi32, #tpu.memory_space<hbm>> -> memref<4x128xi32, #tpu.memory_space<hbm>>
      tpu.enqueue_dma source(%dma_start3A_512 : memref<4x128xi32, #tpu.memory_space<hbm>>) target(%arg20 : memref<4x128xi32, #tpu.memory_space<vmem>>) target_semaphore(%run_scoped3A : memref<!tpu.dma_semaphore, #tpu.memory_space<semaphore_mem>>)
      %dma_wait3A_513 = arith.constant 0 : i32
      %dma_wait3A_514 = tpu.memref_slice %arg4[%mul3A_8, %dma_wait3A_513] : memref<128x128xi32, #tpu.memory_space<hbm>> -> memref<4x128xi32, #tpu.memory_space<hbm>>
      %dma_wait3A_515 = arith.constant 0 : i32
      %dma_wait3A_516 = tpu.memref_slice %arg4[%mul3A_8, %dma_wait3A_515] : memref<128x128xi32, #tpu.memory_space<hbm>> -> memref<4x128xi32, #tpu.memory_space<hbm>>
      tpu.wait_dma2 semaphore(%run_scoped3A : memref<!tpu.dma_semaphore, #tpu.memory_space<semaphore_mem>>) src(%dma_wait3A_516 : memref<4x128xi32, #tpu.memory_space<hbm>>) dst(%arg20 : memref<4x128xi32, #tpu.memory_space<vmem>>)
      tpu.yield
    }) : () -> ()
    %mul3A_9 = arith.constant 4 : i32
    %mul3A_10 = arith.muli %add3A, %mul3A_9 : i32
    "tpu.region"() ({
      %run_scoped3A = tpu.sem_alloc : memref<!tpu.dma_semaphore, #tpu.memory_space<semaphore_mem>>
      %dma_start3A_509 = arith.constant 0 : i32
      %dma_start3A_510 = tpu.memref_slice %arg5[%mul3A_10, %dma_start3A_509] : memref<128x128xi32, #tpu.memory_space<hbm>> -> memref<4x128xi32, #tpu.memory_space<hbm>>
      %dma_start3A_511 = arith.constant 0 : i32
      %dma_start3A_512 = tpu.memref_slice %arg5[%mul3A_10, %dma_start3A_511] : memref<128x128xi32, #tpu.memory_space<hbm>> -> memref<4x128xi32, #tpu.memory_space<hbm>>
      tpu.enqueue_dma source(%dma_start3A_512 : memref<4x128xi32, #tpu.memory_space<hbm>>) target(%arg21 : memref<4x128xi32, #tpu.memory_space<vmem>>) target_semaphore(%run_scoped3A : memref<!tpu.dma_semaphore, #tpu.memory_space<semaphore_mem>>)
      %dma_wait3A_513 = arith.constant 0 : i32
      %dma_wait3A_514 = tpu.memref_slice %arg5[%mul3A_10, %dma_wait3A_513] : memref<128x128xi32, #tpu.memory_space<hbm>> -> memref<4x128xi32, #tpu.memory_space<hbm>>
      %dma_wait3A_515 = arith.constant 0 : i32
      %dma_wait3A_516 = tpu.memref_slice %arg5[%mul3A_10, %dma_wait3A_515] : memref<128x128xi32, #tpu.memory_space<hbm>> -> memref<4x128xi32, #tpu.memory_space<hbm>>
      tpu.wait_dma2 semaphore(%run_scoped3A : memref<!tpu.dma_semaphore, #tpu.memory_space<semaphore_mem>>) src(%dma_wait3A_516 : memref<4x128xi32, #tpu.memory_space<hbm>>) dst(%arg21 : memref<4x128xi32, #tpu.memory_space<vmem>>)
      tpu.yield
    }) : () -> ()
    %dma_start3A = arith.constant 0 : i32
    %dma_start3A_11 = arith.constant 0 : i32
    %dma_start3A_12 = arith.constant 0 : i32
    %dma_start3A_13 = tpu.memref_slice %arg24[%dma_start3A_11, %dma_start3A_12] : memref<8x128xf32, #tpu.memory_space<vmem>> -> memref<1x128xf32, #tpu.memory_space<vmem>>
    %dma_start3A_14 = tpu.memref_squeeze %dma_start3A_13 : memref<1x128xf32, #tpu.memory_space<vmem>> -> memref<128xf32, #tpu.memory_space<vmem>>
    %dma_start3A_15 = arith.constant 0 : i32
    %dma_start3A_16 = tpu.memref_slice %arg20[%dma_start3A, %dma_start3A_15] : memref<4x128xi32, #tpu.memory_space<vmem>> -> memref<1x128xi32, #tpu.memory_space<vmem>>
    %dma_start3A_17 = tpu.memref_squeeze %dma_start3A_16 : memref<1x128xi32, #tpu.memory_space<vmem>> -> memref<128xi32, #tpu.memory_space<vmem>>
    %dma_start3A_18 = arith.constant 0 : i32
    %dma_start3A_19 = tpu.memref_slice %arg10[%dma_start3A_18] : memref<1000000xf32, #tpu.memory_space<hbm>> -> memref<1000000xf32, #tpu.memory_space<hbm>>
    tpu.enqueue_indirect_dma source(%dma_start3A_19 : memref<1000000xf32, #tpu.memory_space<hbm>>) target(%dma_start3A_14 : memref<128xf32, #tpu.memory_space<vmem>>) offsets(%dma_start3A_17 : memref<128xi32, #tpu.memory_space<vmem>>) semaphore(%arg27 : memref<!tpu.dma_semaphore, #tpu.memory_space<semaphore_mem>>)
    %dma_start3A_20 = arith.constant 1 : i32
    %dma_start3A_21 = arith.constant 1 : i32
    %dma_start3A_22 = arith.constant 0 : i32
    %dma_start3A_23 = tpu.memref_slice %arg24[%dma_start3A_21, %dma_start3A_22] : memref<8x128xf32, #tpu.memory_space<vmem>> -> memref<1x128xf32, #tpu.memory_space<vmem>>
    %dma_start3A_24 = tpu.memref_squeeze %dma_start3A_23 : memref<1x128xf32, #tpu.memory_space<vmem>> -> memref<128xf32, #tpu.memory_space<vmem>>
    %dma_start3A_25 = arith.constant 0 : i32
    %dma_start3A_26 = tpu.memref_slice %arg20[%dma_start3A_20, %dma_start3A_25] : memref<4x128xi32, #tpu.memory_space<vmem>> -> memref<1x128xi32, #tpu.memory_space<vmem>>
    %dma_start3A_27 = tpu.memref_squeeze %dma_start3A_26 : memref<1x128xi32, #tpu.memory_space<vmem>> -> memref<128xi32, #tpu.memory_space<vmem>>
    %dma_start3A_28 = arith.constant 0 : i32
    %dma_start3A_29 = tpu.memref_slice %arg10[%dma_start3A_28] : memref<1000000xf32, #tpu.memory_space<hbm>> -> memref<1000000xf32, #tpu.memory_space<hbm>>
    tpu.enqueue_indirect_dma source(%dma_start3A_29 : memref<1000000xf32, #tpu.memory_space<hbm>>) target(%dma_start3A_24 : memref<128xf32, #tpu.memory_space<vmem>>) offsets(%dma_start3A_27 : memref<128xi32, #tpu.memory_space<vmem>>) semaphore(%arg27 : memref<!tpu.dma_semaphore, #tpu.memory_space<semaphore_mem>>)
    %dma_start3A_30 = arith.constant 2 : i32
    %dma_start3A_31 = arith.constant 2 : i32
    %dma_start3A_32 = arith.constant 0 : i32
    %dma_start3A_33 = tpu.memref_slice %arg24[%dma_start3A_31, %dma_start3A_32] : memref<8x128xf32, #tpu.memory_space<vmem>> -> memref<1x128xf32, #tpu.memory_space<vmem>>
    %dma_start3A_34 = tpu.memref_squeeze %dma_start3A_33 : memref<1x128xf32, #tpu.memory_space<vmem>> -> memref<128xf32, #tpu.memory_space<vmem>>
    %dma_start3A_35 = arith.constant 0 : i32
    %dma_start3A_36 = tpu.memref_slice %arg20[%dma_start3A_30, %dma_start3A_35] : memref<4x128xi32, #tpu.memory_space<vmem>> -> memref<1x128xi32, #tpu.memory_space<vmem>>
    %dma_start3A_37 = tpu.memref_squeeze %dma_start3A_36 : memref<1x128xi32, #tpu.memory_space<vmem>> -> memref<128xi32, #tpu.memory_space<vmem>>
    %dma_start3A_38 = arith.constant 0 : i32
    %dma_start3A_39 = tpu.memref_slice %arg10[%dma_start3A_38] : memref<1000000xf32, #tpu.memory_space<hbm>> -> memref<1000000xf32, #tpu.memory_space<hbm>>
    tpu.enqueue_indirect_dma source(%dma_start3A_39 : memref<1000000xf32, #tpu.memory_space<hbm>>) target(%dma_start3A_34 : memref<128xf32, #tpu.memory_space<vmem>>) offsets(%dma_start3A_37 : memref<128xi32, #tpu.memory_space<vmem>>) semaphore(%arg27 : memref<!tpu.dma_semaphore, #tpu.memory_space<semaphore_mem>>)
    %dma_start3A_40 = arith.constant 3 : i32
    %dma_start3A_41 = arith.constant 3 : i32
    %dma_start3A_42 = arith.constant 0 : i32
    %dma_start3A_43 = tpu.memref_slice %arg24[%dma_start3A_41, %dma_start3A_42] : memref<8x128xf32, #tpu.memory_space<vmem>> -> memref<1x128xf32, #tpu.memory_space<vmem>>
    %dma_start3A_44 = tpu.memref_squeeze %dma_start3A_43 : memref<1x128xf32, #tpu.memory_space<vmem>> -> memref<128xf32, #tpu.memory_space<vmem>>
    %dma_start3A_45 = arith.constant 0 : i32
    %dma_start3A_46 = tpu.memref_slice %arg20[%dma_start3A_40, %dma_start3A_45] : memref<4x128xi32, #tpu.memory_space<vmem>> -> memref<1x128xi32, #tpu.memory_space<vmem>>
    %dma_start3A_47 = tpu.memref_squeeze %dma_start3A_46 : memref<1x128xi32, #tpu.memory_space<vmem>> -> memref<128xi32, #tpu.memory_space<vmem>>
    %dma_start3A_48 = arith.constant 0 : i32
    %dma_start3A_49 = tpu.memref_slice %arg10[%dma_start3A_48] : memref<1000000xf32, #tpu.memory_space<hbm>> -> memref<1000000xf32, #tpu.memory_space<hbm>>
    tpu.enqueue_indirect_dma source(%dma_start3A_49 : memref<1000000xf32, #tpu.memory_space<hbm>>) target(%dma_start3A_44 : memref<128xf32, #tpu.memory_space<vmem>>) offsets(%dma_start3A_47 : memref<128xi32, #tpu.memory_space<vmem>>) semaphore(%arg27 : memref<!tpu.dma_semaphore, #tpu.memory_space<semaphore_mem>>)
    %dma_start3A_50 = arith.constant 0 : i32
    %dma_start3A_51 = arith.constant 4 : i32
    %dma_start3A_52 = arith.constant 0 : i32
    %dma_start3A_53 = tpu.memref_slice %arg24[%dma_start3A_51, %dma_start3A_52] : memref<8x128xf32, #tpu.memory_space<vmem>> -> memref<1x128xf32, #tpu.memory_space<vmem>>
    %dma_start3A_54 = tpu.memref_squeeze %dma_start3A_53 : memref<1x128xf32, #tpu.memory_space<vmem>> -> memref<128xf32, #tpu.memory_space<vmem>>
    %dma_start3A_55 = arith.constant 0 : i32
    %dma_start3A_56 = tpu.memref_slice %arg21[%dma_start3A_50, %dma_start3A_55] : memref<4x128xi32, #tpu.memory_space<vmem>> -> memref<1x128xi32, #tpu.memory_space<vmem>>
    %dma_start3A_57 = tpu.memref_squeeze %dma_start3A_56 : memref<1x128xi32, #tpu.memory_space<vmem>> -> memref<128xi32, #tpu.memory_space<vmem>>
    %dma_start3A_58 = arith.constant 0 : i32
    %dma_start3A_59 = tpu.memref_slice %arg11[%dma_start3A_58] : memref<100000xf32, #tpu.memory_space<hbm>> -> memref<100000xf32, #tpu.memory_space<hbm>>
    tpu.enqueue_indirect_dma source(%dma_start3A_59 : memref<100000xf32, #tpu.memory_space<hbm>>) target(%dma_start3A_54 : memref<128xf32, #tpu.memory_space<vmem>>) offsets(%dma_start3A_57 : memref<128xi32, #tpu.memory_space<vmem>>) semaphore(%arg27 : memref<!tpu.dma_semaphore, #tpu.memory_space<semaphore_mem>>)
    %dma_start3A_60 = arith.constant 1 : i32
    %dma_start3A_61 = arith.constant 5 : i32
    %dma_start3A_62 = arith.constant 0 : i32
    %dma_start3A_63 = tpu.memref_slice %arg24[%dma_start3A_61, %dma_start3A_62] : memref<8x128xf32, #tpu.memory_space<vmem>> -> memref<1x128xf32, #tpu.memory_space<vmem>>
    %dma_start3A_64 = tpu.memref_squeeze %dma_start3A_63 : memref<1x128xf32, #tpu.memory_space<vmem>> -> memref<128xf32, #tpu.memory_space<vmem>>
    %dma_start3A_65 = arith.constant 0 : i32
    %dma_start3A_66 = tpu.memref_slice %arg21[%dma_start3A_60, %dma_start3A_65] : memref<4x128xi32, #tpu.memory_space<vmem>> -> memref<1x128xi32, #tpu.memory_space<vmem>>
    %dma_start3A_67 = tpu.memref_squeeze %dma_start3A_66 : memref<1x128xi32, #tpu.memory_space<vmem>> -> memref<128xi32, #tpu.memory_space<vmem>>
    %dma_start3A_68 = arith.constant 0 : i32
    %dma_start3A_69 = tpu.memref_slice %arg11[%dma_start3A_68] : memref<100000xf32, #tpu.memory_space<hbm>> -> memref<100000xf32, #tpu.memory_space<hbm>>
    tpu.enqueue_indirect_dma source(%dma_start3A_69 : memref<100000xf32, #tpu.memory_space<hbm>>) target(%dma_start3A_64 : memref<128xf32, #tpu.memory_space<vmem>>) offsets(%dma_start3A_67 : memref<128xi32, #tpu.memory_space<vmem>>) semaphore(%arg27 : memref<!tpu.dma_semaphore, #tpu.memory_space<semaphore_mem>>)
    %dma_start3A_70 = arith.constant 2 : i32
    %dma_start3A_71 = arith.constant 6 : i32
    %dma_start3A_72 = arith.constant 0 : i32
    %dma_start3A_73 = tpu.memref_slice %arg24[%dma_start3A_71, %dma_start3A_72] : memref<8x128xf32, #tpu.memory_space<vmem>> -> memref<1x128xf32, #tpu.memory_space<vmem>>
    %dma_start3A_74 = tpu.memref_squeeze %dma_start3A_73 : memref<1x128xf32, #tpu.memory_space<vmem>> -> memref<128xf32, #tpu.memory_space<vmem>>
    %dma_start3A_75 = arith.constant 0 : i32
    %dma_start3A_76 = tpu.memref_slice %arg21[%dma_start3A_70, %dma_start3A_75] : memref<4x128xi32, #tpu.memory_space<vmem>> -> memref<1x128xi32, #tpu.memory_space<vmem>>
    %dma_start3A_77 = tpu.memref_squeeze %dma_start3A_76 : memref<1x128xi32, #tpu.memory_space<vmem>> -> memref<128xi32, #tpu.memory_space<vmem>>
    %dma_start3A_78 = arith.constant 0 : i32
    %dma_start3A_79 = tpu.memref_slice %arg11[%dma_start3A_78] : memref<100000xf32, #tpu.memory_space<hbm>> -> memref<100000xf32, #tpu.memory_space<hbm>>
    tpu.enqueue_indirect_dma source(%dma_start3A_79 : memref<100000xf32, #tpu.memory_space<hbm>>) target(%dma_start3A_74 : memref<128xf32, #tpu.memory_space<vmem>>) offsets(%dma_start3A_77 : memref<128xi32, #tpu.memory_space<vmem>>) semaphore(%arg27 : memref<!tpu.dma_semaphore, #tpu.memory_space<semaphore_mem>>)
    %dma_start3A_80 = arith.constant 3 : i32
    %dma_start3A_81 = arith.constant 7 : i32
    %dma_start3A_82 = arith.constant 0 : i32
    %dma_start3A_83 = tpu.memref_slice %arg24[%dma_start3A_81, %dma_start3A_82] : memref<8x128xf32, #tpu.memory_space<vmem>> -> memref<1x128xf32, #tpu.memory_space<vmem>>
    %dma_start3A_84 = tpu.memref_squeeze %dma_start3A_83 : memref<1x128xf32, #tpu.memory_space<vmem>> -> memref<128xf32, #tpu.memory_space<vmem>>
    %dma_start3A_85 = arith.constant 0 : i32
    %dma_start3A_86 = tpu.memref_slice %arg21[%dma_start3A_80, %dma_start3A_85] : memref<4x128xi32, #tpu.memory_space<vmem>> -> memref<1x128xi32, #tpu.memory_space<vmem>>
    %dma_start3A_87 = tpu.memref_squeeze %dma_start3A_86 : memref<1x128xi32, #tpu.memory_space<vmem>> -> memref<128xi32, #tpu.memory_space<vmem>>
    %dma_start3A_88 = arith.constant 0 : i32
    %dma_start3A_89 = tpu.memref_slice %arg11[%dma_start3A_88] : memref<100000xf32, #tpu.memory_space<hbm>> -> memref<100000xf32, #tpu.memory_space<hbm>>
    tpu.enqueue_indirect_dma source(%dma_start3A_89 : memref<100000xf32, #tpu.memory_space<hbm>>) target(%dma_start3A_84 : memref<128xf32, #tpu.memory_space<vmem>>) offsets(%dma_start3A_87 : memref<128xi32, #tpu.memory_space<vmem>>) semaphore(%arg27 : memref<!tpu.dma_semaphore, #tpu.memory_space<semaphore_mem>>)
    %dma_start3A_90 = arith.constant 0 : i32
    %dma_start3A_91 = arith.constant 0 : i32
    %dma_start3A_92 = arith.constant 0 : i32
    %dma_start3A_93 = tpu.memref_slice %arg22[%dma_start3A_91, %dma_start3A_92] : memref<256x128xf32, #tpu.memory_space<vmem>> -> memref<128x128xf32, #tpu.memory_space<vmem>>
    %dma_start3A_94 = arith.constant 0 : i32
    %dma_start3A_95 = tpu.memref_slice %arg18[%dma_start3A_90, %dma_start3A_94] : memref<4x128xi32, #tpu.memory_space<vmem>> -> memref<1x128xi32, #tpu.memory_space<vmem>>
    %dma_start3A_96 = tpu.memref_squeeze %dma_start3A_95 : memref<1x128xi32, #tpu.memory_space<vmem>> -> memref<128xi32, #tpu.memory_space<vmem>>
    %dma_start3A_97 = arith.constant 0 : i32
    %dma_start3A_98 = arith.constant 0 : i32
    %dma_start3A_99 = tpu.memref_slice %arg6[%dma_start3A_97, %dma_start3A_98] : memref<500000x128xf32, #tpu.memory_space<hbm>> -> memref<500000x128xf32, #tpu.memory_space<hbm>>
    tpu.enqueue_indirect_dma source(%dma_start3A_99 : memref<500000x128xf32, #tpu.memory_space<hbm>>) target(%dma_start3A_93 : memref<128x128xf32, #tpu.memory_space<vmem>>) offsets(%dma_start3A_96 : memref<128xi32, #tpu.memory_space<vmem>>) semaphore(%arg25 : memref<!tpu.dma_semaphore, #tpu.memory_space<semaphore_mem>>)
    %dma_start3A_100 = arith.constant 1 : i32
    %dma_start3A_101 = arith.constant 128 : i32
    %dma_start3A_102 = arith.constant 0 : i32
    %dma_start3A_103 = tpu.memref_slice %arg22[%dma_start3A_101, %dma_start3A_102] : memref<256x128xf32, #tpu.memory_space<vmem>> -> memref<128x128xf32, #tpu.memory_space<vmem>>
    %dma_start3A_104 = arith.constant 0 : i32
    %dma_start3A_105 = tpu.memref_slice %arg18[%dma_start3A_100, %dma_start3A_104] : memref<4x128xi32, #tpu.memory_space<vmem>> -> memref<1x128xi32, #tpu.memory_space<vmem>>
    %dma_start3A_106 = tpu.memref_squeeze %dma_start3A_105 : memref<1x128xi32, #tpu.memory_space<vmem>> -> memref<128xi32, #tpu.memory_space<vmem>>
    %dma_start3A_107 = arith.constant 0 : i32
    %dma_start3A_108 = arith.constant 0 : i32
    %dma_start3A_109 = tpu.memref_slice %arg6[%dma_start3A_107, %dma_start3A_108] : memref<500000x128xf32, #tpu.memory_space<hbm>> -> memref<500000x128xf32, #tpu.memory_space<hbm>>
    tpu.enqueue_indirect_dma source(%dma_start3A_109 : memref<500000x128xf32, #tpu.memory_space<hbm>>) target(%dma_start3A_103 : memref<128x128xf32, #tpu.memory_space<vmem>>) offsets(%dma_start3A_106 : memref<128xi32, #tpu.memory_space<vmem>>) semaphore(%arg25 : memref<!tpu.dma_semaphore, #tpu.memory_space<semaphore_mem>>)
    %dma_start3A_110 = arith.constant 2 : i32
    %dma_start3A_111 = arith.constant 0 : i32
    %dma_start3A_112 = arith.constant 0 : i32
    %dma_start3A_113 = tpu.memref_slice %arg23[%dma_start3A_111, %dma_start3A_112] : memref<256x128xf32, #tpu.memory_space<vmem>> -> memref<128x128xf32, #tpu.memory_space<vmem>>
    %dma_start3A_114 = arith.constant 0 : i32
    %dma_start3A_115 = tpu.memref_slice %arg18[%dma_start3A_110, %dma_start3A_114] : memref<4x128xi32, #tpu.memory_space<vmem>> -> memref<1x128xi32, #tpu.memory_space<vmem>>
    %dma_start3A_116 = tpu.memref_squeeze %dma_start3A_115 : memref<1x128xi32, #tpu.memory_space<vmem>> -> memref<128xi32, #tpu.memory_space<vmem>>
    %dma_start3A_117 = arith.constant 0 : i32
    %dma_start3A_118 = arith.constant 0 : i32
    %dma_start3A_119 = tpu.memref_slice %arg6[%dma_start3A_117, %dma_start3A_118] : memref<500000x128xf32, #tpu.memory_space<hbm>> -> memref<500000x128xf32, #tpu.memory_space<hbm>>
    tpu.enqueue_indirect_dma source(%dma_start3A_119 : memref<500000x128xf32, #tpu.memory_space<hbm>>) target(%dma_start3A_113 : memref<128x128xf32, #tpu.memory_space<vmem>>) offsets(%dma_start3A_116 : memref<128xi32, #tpu.memory_space<vmem>>) semaphore(%arg26 : memref<!tpu.dma_semaphore, #tpu.memory_space<semaphore_mem>>)
    %dma_start3A_120 = arith.constant 3 : i32
    %dma_start3A_121 = arith.constant 128 : i32
    %dma_start3A_122 = arith.constant 0 : i32
    %dma_start3A_123 = tpu.memref_slice %arg23[%dma_start3A_121, %dma_start3A_122] : memref<256x128xf32, #tpu.memory_space<vmem>> -> memref<128x128xf32, #tpu.memory_space<vmem>>
    %dma_start3A_124 = arith.constant 0 : i32
    %dma_start3A_125 = tpu.memref_slice %arg18[%dma_start3A_120, %dma_start3A_124] : memref<4x128xi32, #tpu.memory_space<vmem>> -> memref<1x128xi32, #tpu.memory_space<vmem>>
    %dma_start3A_126 = tpu.memref_squeeze %dma_start3A_125 : memref<1x128xi32, #tpu.memory_space<vmem>> -> memref<128xi32, #tpu.memory_space<vmem>>
    %dma_start3A_127 = arith.constant 0 : i32
    %dma_start3A_128 = arith.constant 0 : i32
    %dma_start3A_129 = tpu.memref_slice %arg6[%dma_start3A_127, %dma_start3A_128] : memref<500000x128xf32, #tpu.memory_space<hbm>> -> memref<500000x128xf32, #tpu.memory_space<hbm>>
    tpu.enqueue_indirect_dma source(%dma_start3A_129 : memref<500000x128xf32, #tpu.memory_space<hbm>>) target(%dma_start3A_123 : memref<128x128xf32, #tpu.memory_space<vmem>>) offsets(%dma_start3A_126 : memref<128xi32, #tpu.memory_space<vmem>>) semaphore(%arg26 : memref<!tpu.dma_semaphore, #tpu.memory_space<semaphore_mem>>)
    %dma_wait3A = arith.constant 0 : i32
    %dma_wait3A_130 = arith.constant 0 : i32
    %dma_wait3A_131 = arith.constant 0 : i32
    %dma_wait3A_132 = tpu.memref_slice %arg22[%dma_wait3A_130, %dma_wait3A_131] : memref<256x128xf32, #tpu.memory_space<vmem>> -> memref<128x128xf32, #tpu.memory_space<vmem>>
    %dma_wait3A_133 = arith.constant 0 : i32
    %dma_wait3A_134 = tpu.memref_slice %arg18[%dma_wait3A, %dma_wait3A_133] : memref<4x128xi32, #tpu.memory_space<vmem>> -> memref<1x128xi32, #tpu.memory_space<vmem>>
    %dma_wait3A_135 = tpu.memref_squeeze %dma_wait3A_134 : memref<1x128xi32, #tpu.memory_space<vmem>> -> memref<128xi32, #tpu.memory_space<vmem>>
    %dma_wait3A_136 = arith.constant 0 : i32
    %dma_wait3A_137 = arith.constant 0 : i32
    %dma_wait3A_138 = tpu.memref_slice %arg6[%dma_wait3A_136, %dma_wait3A_137] : memref<500000x128xf32, #tpu.memory_space<hbm>> -> memref<500000x128xf32, #tpu.memory_space<hbm>>
    tpu.wait_indirect_dma semaphore(%arg25 : memref<!tpu.dma_semaphore, #tpu.memory_space<semaphore_mem>>) src(%dma_wait3A_138 : memref<500000x128xf32, #tpu.memory_space<hbm>>) dst(%dma_wait3A_132 : memref<128x128xf32, #tpu.memory_space<vmem>>)
    %dma_wait3A_139 = arith.constant 1 : i32
    %dma_wait3A_140 = arith.constant 128 : i32
    %dma_wait3A_141 = arith.constant 0 : i32
    %dma_wait3A_142 = tpu.memref_slice %arg22[%dma_wait3A_140, %dma_wait3A_141] : memref<256x128xf32, #tpu.memory_space<vmem>> -> memref<128x128xf32, #tpu.memory_space<vmem>>
    %dma_wait3A_143 = arith.constant 0 : i32
    %dma_wait3A_144 = tpu.memref_slice %arg18[%dma_wait3A_139, %dma_wait3A_143] : memref<4x128xi32, #tpu.memory_space<vmem>> -> memref<1x128xi32, #tpu.memory_space<vmem>>
    %dma_wait3A_145 = tpu.memref_squeeze %dma_wait3A_144 : memref<1x128xi32, #tpu.memory_space<vmem>> -> memref<128xi32, #tpu.memory_space<vmem>>
    %dma_wait3A_146 = arith.constant 0 : i32
    %dma_wait3A_147 = arith.constant 0 : i32
    %dma_wait3A_148 = tpu.memref_slice %arg6[%dma_wait3A_146, %dma_wait3A_147] : memref<500000x128xf32, #tpu.memory_space<hbm>> -> memref<500000x128xf32, #tpu.memory_space<hbm>>
    tpu.wait_indirect_dma semaphore(%arg25 : memref<!tpu.dma_semaphore, #tpu.memory_space<semaphore_mem>>) src(%dma_wait3A_148 : memref<500000x128xf32, #tpu.memory_space<hbm>>) dst(%dma_wait3A_142 : memref<128x128xf32, #tpu.memory_space<vmem>>)
    %add3A_149 = arith.constant 0 : i32
    %add3A_150 = arith.addi %mul3A_2, %add3A_149 : i32
    "tpu.region"() ({
      %run_scoped3A = tpu.sem_alloc : memref<!tpu.dma_semaphore, #tpu.memory_space<semaphore_mem>>
      %dma_start3A_509 = arith.constant 0 : i32
      %dma_start3A_510 = tpu.memref_slice %arg12[%add3A_150, %dma_start3A_509] : memref<16384x128xf32, #tpu.memory_space<hbm>> -> memref<256x128xf32, #tpu.memory_space<hbm>>
      %dma_start3A_511 = arith.constant 0 : i32
      %dma_start3A_512 = tpu.memref_slice %arg12[%add3A_150, %dma_start3A_511] : memref<16384x128xf32, #tpu.memory_space<hbm>> -> memref<256x128xf32, #tpu.memory_space<hbm>>
      tpu.enqueue_dma source(%arg22 : memref<256x128xf32, #tpu.memory_space<vmem>>) target(%dma_start3A_512 : memref<256x128xf32, #tpu.memory_space<hbm>>) target_semaphore(%run_scoped3A : memref<!tpu.dma_semaphore, #tpu.memory_space<semaphore_mem>>)
      %dma_wait3A_513 = arith.constant 0 : i32
      %dma_wait3A_514 = tpu.memref_slice %arg12[%add3A_150, %dma_wait3A_513] : memref<16384x128xf32, #tpu.memory_space<hbm>> -> memref<256x128xf32, #tpu.memory_space<hbm>>
      %dma_wait3A_515 = arith.constant 0 : i32
      %dma_wait3A_516 = tpu.memref_slice %arg12[%add3A_150, %dma_wait3A_515] : memref<16384x128xf32, #tpu.memory_space<hbm>> -> memref<256x128xf32, #tpu.memory_space<hbm>>
      tpu.wait_dma2 semaphore(%run_scoped3A : memref<!tpu.dma_semaphore, #tpu.memory_space<semaphore_mem>>) src(%arg22 : memref<256x128xf32, #tpu.memory_space<vmem>>) dst(%dma_wait3A_516 : memref<256x128xf32, #tpu.memory_space<hbm>>)
      tpu.yield
    }) : () -> ()
    %dma_start3A_151 = arith.constant 0 : i32
    %dma_start3A_152 = arith.constant 0 : i32
    %dma_start3A_153 = arith.constant 0 : i32
    %dma_start3A_154 = tpu.memref_slice %arg22[%dma_start3A_152, %dma_start3A_153] : memref<256x128xf32, #tpu.memory_space<vmem>> -> memref<128x128xf32, #tpu.memory_space<vmem>>
    %dma_start3A_155 = arith.constant 0 : i32
    %dma_start3A_156 = tpu.memref_slice %arg18[%dma_start3A_151, %dma_start3A_155] : memref<4x128xi32, #tpu.memory_space<vmem>> -> memref<1x128xi32, #tpu.memory_space<vmem>>
    %dma_start3A_157 = tpu.memref_squeeze %dma_start3A_156 : memref<1x128xi32, #tpu.memory_space<vmem>> -> memref<128xi32, #tpu.memory_space<vmem>>
    %dma_start3A_158 = arith.constant 0 : i32
    %dma_start3A_159 = arith.constant 0 : i32
    %dma_start3A_160 = tpu.memref_slice %arg8[%dma_start3A_158, %dma_start3A_159] : memref<500000x128xf32, #tpu.memory_space<hbm>> -> memref<500000x128xf32, #tpu.memory_space<hbm>>
    tpu.enqueue_indirect_dma source(%dma_start3A_160 : memref<500000x128xf32, #tpu.memory_space<hbm>>) target(%dma_start3A_154 : memref<128x128xf32, #tpu.memory_space<vmem>>) offsets(%dma_start3A_157 : memref<128xi32, #tpu.memory_space<vmem>>) semaphore(%arg25 : memref<!tpu.dma_semaphore, #tpu.memory_space<semaphore_mem>>)
    %dma_start3A_161 = arith.constant 1 : i32
    %dma_start3A_162 = arith.constant 128 : i32
    %dma_start3A_163 = arith.constant 0 : i32
    %dma_start3A_164 = tpu.memref_slice %arg22[%dma_start3A_162, %dma_start3A_163] : memref<256x128xf32, #tpu.memory_space<vmem>> -> memref<128x128xf32, #tpu.memory_space<vmem>>
    %dma_start3A_165 = arith.constant 0 : i32
    %dma_start3A_166 = tpu.memref_slice %arg18[%dma_start3A_161, %dma_start3A_165] : memref<4x128xi32, #tpu.memory_space<vmem>> -> memref<1x128xi32, #tpu.memory_space<vmem>>
    %dma_start3A_167 = tpu.memref_squeeze %dma_start3A_166 : memref<1x128xi32, #tpu.memory_space<vmem>> -> memref<128xi32, #tpu.memory_space<vmem>>
    %dma_start3A_168 = arith.constant 0 : i32
    %dma_start3A_169 = arith.constant 0 : i32
    %dma_start3A_170 = tpu.memref_slice %arg8[%dma_start3A_168, %dma_start3A_169] : memref<500000x128xf32, #tpu.memory_space<hbm>> -> memref<500000x128xf32, #tpu.memory_space<hbm>>
    tpu.enqueue_indirect_dma source(%dma_start3A_170 : memref<500000x128xf32, #tpu.memory_space<hbm>>) target(%dma_start3A_164 : memref<128x128xf32, #tpu.memory_space<vmem>>) offsets(%dma_start3A_167 : memref<128xi32, #tpu.memory_space<vmem>>) semaphore(%arg25 : memref<!tpu.dma_semaphore, #tpu.memory_space<semaphore_mem>>)
    %dma_wait3A_171 = arith.constant 2 : i32
    %dma_wait3A_172 = arith.constant 0 : i32
    %dma_wait3A_173 = arith.constant 0 : i32
    %dma_wait3A_174 = tpu.memref_slice %arg23[%dma_wait3A_172, %dma_wait3A_173] : memref<256x128xf32, #tpu.memory_space<vmem>> -> memref<128x128xf32, #tpu.memory_space<vmem>>
    %dma_wait3A_175 = arith.constant 0 : i32
    %dma_wait3A_176 = tpu.memref_slice %arg18[%dma_wait3A_171, %dma_wait3A_175] : memref<4x128xi32, #tpu.memory_space<vmem>> -> memref<1x128xi32, #tpu.memory_space<vmem>>
    %dma_wait3A_177 = tpu.memref_squeeze %dma_wait3A_176 : memref<1x128xi32, #tpu.memory_space<vmem>> -> memref<128xi32, #tpu.memory_space<vmem>>
    %dma_wait3A_178 = arith.constant 0 : i32
    %dma_wait3A_179 = arith.constant 0 : i32
    %dma_wait3A_180 = tpu.memref_slice %arg6[%dma_wait3A_178, %dma_wait3A_179] : memref<500000x128xf32, #tpu.memory_space<hbm>> -> memref<500000x128xf32, #tpu.memory_space<hbm>>
    tpu.wait_indirect_dma semaphore(%arg26 : memref<!tpu.dma_semaphore, #tpu.memory_space<semaphore_mem>>) src(%dma_wait3A_180 : memref<500000x128xf32, #tpu.memory_space<hbm>>) dst(%dma_wait3A_174 : memref<128x128xf32, #tpu.memory_space<vmem>>)
    %dma_wait3A_181 = arith.constant 3 : i32
    %dma_wait3A_182 = arith.constant 128 : i32
    %dma_wait3A_183 = arith.constant 0 : i32
    %dma_wait3A_184 = tpu.memref_slice %arg23[%dma_wait3A_182, %dma_wait3A_183] : memref<256x128xf32, #tpu.memory_space<vmem>> -> memref<128x128xf32, #tpu.memory_space<vmem>>
    %dma_wait3A_185 = arith.constant 0 : i32
    %dma_wait3A_186 = tpu.memref_slice %arg18[%dma_wait3A_181, %dma_wait3A_185] : memref<4x128xi32, #tpu.memory_space<vmem>> -> memref<1x128xi32, #tpu.memory_space<vmem>>
    %dma_wait3A_187 = tpu.memref_squeeze %dma_wait3A_186 : memref<1x128xi32, #tpu.memory_space<vmem>> -> memref<128xi32, #tpu.memory_space<vmem>>
    %dma_wait3A_188 = arith.constant 0 : i32
    %dma_wait3A_189 = arith.constant 0 : i32
    %dma_wait3A_190 = tpu.memref_slice %arg6[%dma_wait3A_188, %dma_wait3A_189] : memref<500000x128xf32, #tpu.memory_space<hbm>> -> memref<500000x128xf32, #tpu.memory_space<hbm>>
    tpu.wait_indirect_dma semaphore(%arg26 : memref<!tpu.dma_semaphore, #tpu.memory_space<semaphore_mem>>) src(%dma_wait3A_190 : memref<500000x128xf32, #tpu.memory_space<hbm>>) dst(%dma_wait3A_184 : memref<128x128xf32, #tpu.memory_space<vmem>>)
    %add3A_191 = arith.constant 256 : i32
    %add3A_192 = arith.addi %mul3A_2, %add3A_191 : i32
    "tpu.region"() ({
      %run_scoped3A = tpu.sem_alloc : memref<!tpu.dma_semaphore, #tpu.memory_space<semaphore_mem>>
      %dma_start3A_509 = arith.constant 0 : i32
      %dma_start3A_510 = tpu.memref_slice %arg12[%add3A_192, %dma_start3A_509] : memref<16384x128xf32, #tpu.memory_space<hbm>> -> memref<256x128xf32, #tpu.memory_space<hbm>>
      %dma_start3A_511 = arith.constant 0 : i32
      %dma_start3A_512 = tpu.memref_slice %arg12[%add3A_192, %dma_start3A_511] : memref<16384x128xf32, #tpu.memory_space<hbm>> -> memref<256x128xf32, #tpu.memory_space<hbm>>
      tpu.enqueue_dma source(%arg23 : memref<256x128xf32, #tpu.memory_space<vmem>>) target(%dma_start3A_512 : memref<256x128xf32, #tpu.memory_space<hbm>>) target_semaphore(%run_scoped3A : memref<!tpu.dma_semaphore, #tpu.memory_space<semaphore_mem>>)
      %dma_wait3A_513 = arith.constant 0 : i32
      %dma_wait3A_514 = tpu.memref_slice %arg12[%add3A_192, %dma_wait3A_513] : memref<16384x128xf32, #tpu.memory_space<hbm>> -> memref<256x128xf32, #tpu.memory_space<hbm>>
      %dma_wait3A_515 = arith.constant 0 : i32
      %dma_wait3A_516 = tpu.memref_slice %arg12[%add3A_192, %dma_wait3A_515] : memref<16384x128xf32, #tpu.memory_space<hbm>> -> memref<256x128xf32, #tpu.memory_space<hbm>>
      tpu.wait_dma2 semaphore(%run_scoped3A : memref<!tpu.dma_semaphore, #tpu.memory_space<semaphore_mem>>) src(%arg23 : memref<256x128xf32, #tpu.memory_space<vmem>>) dst(%dma_wait3A_516 : memref<256x128xf32, #tpu.memory_space<hbm>>)
      tpu.yield
    }) : () -> ()
    %dma_start3A_193 = arith.constant 2 : i32
    %dma_start3A_194 = arith.constant 0 : i32
    %dma_start3A_195 = arith.constant 0 : i32
    %dma_start3A_196 = tpu.memref_slice %arg23[%dma_start3A_194, %dma_start3A_195] : memref<256x128xf32, #tpu.memory_space<vmem>> -> memref<128x128xf32, #tpu.memory_space<vmem>>
    %dma_start3A_197 = arith.constant 0 : i32
    %dma_start3A_198 = tpu.memref_slice %arg18[%dma_start3A_193, %dma_start3A_197] : memref<4x128xi32, #tpu.memory_space<vmem>> -> memref<1x128xi32, #tpu.memory_space<vmem>>
    %dma_start3A_199 = tpu.memref_squeeze %dma_start3A_198 : memref<1x128xi32, #tpu.memory_space<vmem>> -> memref<128xi32, #tpu.memory_space<vmem>>
    %dma_start3A_200 = arith.constant 0 : i32
    %dma_start3A_201 = arith.constant 0 : i32
    %dma_start3A_202 = tpu.memref_slice %arg8[%dma_start3A_200, %dma_start3A_201] : memref<500000x128xf32, #tpu.memory_space<hbm>> -> memref<500000x128xf32, #tpu.memory_space<hbm>>
    tpu.enqueue_indirect_dma source(%dma_start3A_202 : memref<500000x128xf32, #tpu.memory_space<hbm>>) target(%dma_start3A_196 : memref<128x128xf32, #tpu.memory_space<vmem>>) offsets(%dma_start3A_199 : memref<128xi32, #tpu.memory_space<vmem>>) semaphore(%arg26 : memref<!tpu.dma_semaphore, #tpu.memory_space<semaphore_mem>>)
    %dma_start3A_203 = arith.constant 3 : i32
    %dma_start3A_204 = arith.constant 128 : i32
    %dma_start3A_205 = arith.constant 0 : i32
    %dma_start3A_206 = tpu.memref_slice %arg23[%dma_start3A_204, %dma_start3A_205] : memref<256x128xf32, #tpu.memory_space<vmem>> -> memref<128x128xf32, #tpu.memory_space<vmem>>
    %dma_start3A_207 = arith.constant 0 : i32
    %dma_start3A_208 = tpu.memref_slice %arg18[%dma_start3A_203, %dma_start3A_207] : memref<4x128xi32, #tpu.memory_space<vmem>> -> memref<1x128xi32, #tpu.memory_space<vmem>>
    %dma_start3A_209 = tpu.memref_squeeze %dma_start3A_208 : memref<1x128xi32, #tpu.memory_space<vmem>> -> memref<128xi32, #tpu.memory_space<vmem>>
    %dma_start3A_210 = arith.constant 0 : i32
    %dma_start3A_211 = arith.constant 0 : i32
    %dma_start3A_212 = tpu.memref_slice %arg8[%dma_start3A_210, %dma_start3A_211] : memref<500000x128xf32, #tpu.memory_space<hbm>> -> memref<500000x128xf32, #tpu.memory_space<hbm>>
    tpu.enqueue_indirect_dma source(%dma_start3A_212 : memref<500000x128xf32, #tpu.memory_space<hbm>>) target(%dma_start3A_206 : memref<128x128xf32, #tpu.memory_space<vmem>>) offsets(%dma_start3A_209 : memref<128xi32, #tpu.memory_space<vmem>>) semaphore(%arg26 : memref<!tpu.dma_semaphore, #tpu.memory_space<semaphore_mem>>)
    %dma_wait3A_213 = arith.constant 0 : i32
    %dma_wait3A_214 = arith.constant 0 : i32
    %dma_wait3A_215 = arith.constant 0 : i32
    %dma_wait3A_216 = tpu.memref_slice %arg22[%dma_wait3A_214, %dma_wait3A_215] : memref<256x128xf32, #tpu.memory_space<vmem>> -> memref<128x128xf32, #tpu.memory_space<vmem>>
    %dma_wait3A_217 = arith.constant 0 : i32
    %dma_wait3A_218 = tpu.memref_slice %arg18[%dma_wait3A_213, %dma_wait3A_217] : memref<4x128xi32, #tpu.memory_space<vmem>> -> memref<1x128xi32, #tpu.memory_space<vmem>>
    %dma_wait3A_219 = tpu.memref_squeeze %dma_wait3A_218 : memref<1x128xi32, #tpu.memory_space<vmem>> -> memref<128xi32, #tpu.memory_space<vmem>>
    %dma_wait3A_220 = arith.constant 0 : i32
    %dma_wait3A_221 = arith.constant 0 : i32
    %dma_wait3A_222 = tpu.memref_slice %arg8[%dma_wait3A_220, %dma_wait3A_221] : memref<500000x128xf32, #tpu.memory_space<hbm>> -> memref<500000x128xf32, #tpu.memory_space<hbm>>
    tpu.wait_indirect_dma semaphore(%arg25 : memref<!tpu.dma_semaphore, #tpu.memory_space<semaphore_mem>>) src(%dma_wait3A_222 : memref<500000x128xf32, #tpu.memory_space<hbm>>) dst(%dma_wait3A_216 : memref<128x128xf32, #tpu.memory_space<vmem>>)
    %dma_wait3A_223 = arith.constant 1 : i32
    %dma_wait3A_224 = arith.constant 128 : i32
    %dma_wait3A_225 = arith.constant 0 : i32
    %dma_wait3A_226 = tpu.memref_slice %arg22[%dma_wait3A_224, %dma_wait3A_225] : memref<256x128xf32, #tpu.memory_space<vmem>> -> memref<128x128xf32, #tpu.memory_space<vmem>>
    %dma_wait3A_227 = arith.constant 0 : i32
    %dma_wait3A_228 = tpu.memref_slice %arg18[%dma_wait3A_223, %dma_wait3A_227] : memref<4x128xi32, #tpu.memory_space<vmem>> -> memref<1x128xi32, #tpu.memory_space<vmem>>
    %dma_wait3A_229 = tpu.memref_squeeze %dma_wait3A_228 : memref<1x128xi32, #tpu.memory_space<vmem>> -> memref<128xi32, #tpu.memory_space<vmem>>
    %dma_wait3A_230 = arith.constant 0 : i32
    %dma_wait3A_231 = arith.constant 0 : i32
    %dma_wait3A_232 = tpu.memref_slice %arg8[%dma_wait3A_230, %dma_wait3A_231] : memref<500000x128xf32, #tpu.memory_space<hbm>> -> memref<500000x128xf32, #tpu.memory_space<hbm>>
    tpu.wait_indirect_dma semaphore(%arg25 : memref<!tpu.dma_semaphore, #tpu.memory_space<semaphore_mem>>) src(%dma_wait3A_232 : memref<500000x128xf32, #tpu.memory_space<hbm>>) dst(%dma_wait3A_226 : memref<128x128xf32, #tpu.memory_space<vmem>>)
    %add3A_233 = arith.constant 0 : i32
    %add3A_234 = arith.addi %mul3A_2, %add3A_233 : i32
    "tpu.region"() ({
      %run_scoped3A = tpu.sem_alloc : memref<!tpu.dma_semaphore, #tpu.memory_space<semaphore_mem>>
      %dma_start3A_509 = arith.constant 0 : i32
      %dma_start3A_510 = tpu.memref_slice %arg14[%add3A_234, %dma_start3A_509] : memref<16384x128xf32, #tpu.memory_space<hbm>> -> memref<256x128xf32, #tpu.memory_space<hbm>>
      %dma_start3A_511 = arith.constant 0 : i32
      %dma_start3A_512 = tpu.memref_slice %arg14[%add3A_234, %dma_start3A_511] : memref<16384x128xf32, #tpu.memory_space<hbm>> -> memref<256x128xf32, #tpu.memory_space<hbm>>
      tpu.enqueue_dma source(%arg22 : memref<256x128xf32, #tpu.memory_space<vmem>>) target(%dma_start3A_512 : memref<256x128xf32, #tpu.memory_space<hbm>>) target_semaphore(%run_scoped3A : memref<!tpu.dma_semaphore, #tpu.memory_space<semaphore_mem>>)
      %dma_wait3A_513 = arith.constant 0 : i32
      %dma_wait3A_514 = tpu.memref_slice %arg14[%add3A_234, %dma_wait3A_513] : memref<16384x128xf32, #tpu.memory_space<hbm>> -> memref<256x128xf32, #tpu.memory_space<hbm>>
      %dma_wait3A_515 = arith.constant 0 : i32
      %dma_wait3A_516 = tpu.memref_slice %arg14[%add3A_234, %dma_wait3A_515] : memref<16384x128xf32, #tpu.memory_space<hbm>> -> memref<256x128xf32, #tpu.memory_space<hbm>>
      tpu.wait_dma2 semaphore(%run_scoped3A : memref<!tpu.dma_semaphore, #tpu.memory_space<semaphore_mem>>) src(%arg22 : memref<256x128xf32, #tpu.memory_space<vmem>>) dst(%dma_wait3A_516 : memref<256x128xf32, #tpu.memory_space<hbm>>)
      tpu.yield
    }) : () -> ()
    %dma_start3A_235 = arith.constant 0 : i32
    %dma_start3A_236 = arith.constant 0 : i32
    %dma_start3A_237 = arith.constant 0 : i32
    %dma_start3A_238 = tpu.memref_slice %arg22[%dma_start3A_236, %dma_start3A_237] : memref<256x128xf32, #tpu.memory_space<vmem>> -> memref<128x128xf32, #tpu.memory_space<vmem>>
    %dma_start3A_239 = arith.constant 0 : i32
    %dma_start3A_240 = tpu.memref_slice %arg19[%dma_start3A_235, %dma_start3A_239] : memref<4x128xi32, #tpu.memory_space<vmem>> -> memref<1x128xi32, #tpu.memory_space<vmem>>
    %dma_start3A_241 = tpu.memref_squeeze %dma_start3A_240 : memref<1x128xi32, #tpu.memory_space<vmem>> -> memref<128xi32, #tpu.memory_space<vmem>>
    %dma_start3A_242 = arith.constant 0 : i32
    %dma_start3A_243 = arith.constant 0 : i32
    %dma_start3A_244 = tpu.memref_slice %arg7[%dma_start3A_242, %dma_start3A_243] : memref<50000x128xf32, #tpu.memory_space<hbm>> -> memref<50000x128xf32, #tpu.memory_space<hbm>>
    tpu.enqueue_indirect_dma source(%dma_start3A_244 : memref<50000x128xf32, #tpu.memory_space<hbm>>) target(%dma_start3A_238 : memref<128x128xf32, #tpu.memory_space<vmem>>) offsets(%dma_start3A_241 : memref<128xi32, #tpu.memory_space<vmem>>) semaphore(%arg25 : memref<!tpu.dma_semaphore, #tpu.memory_space<semaphore_mem>>)
    %dma_start3A_245 = arith.constant 1 : i32
    %dma_start3A_246 = arith.constant 128 : i32
    %dma_start3A_247 = arith.constant 0 : i32
    %dma_start3A_248 = tpu.memref_slice %arg22[%dma_start3A_246, %dma_start3A_247] : memref<256x128xf32, #tpu.memory_space<vmem>> -> memref<128x128xf32, #tpu.memory_space<vmem>>
    %dma_start3A_249 = arith.constant 0 : i32
    %dma_start3A_250 = tpu.memref_slice %arg19[%dma_start3A_245, %dma_start3A_249] : memref<4x128xi32, #tpu.memory_space<vmem>> -> memref<1x128xi32, #tpu.memory_space<vmem>>
    %dma_start3A_251 = tpu.memref_squeeze %dma_start3A_250 : memref<1x128xi32, #tpu.memory_space<vmem>> -> memref<128xi32, #tpu.memory_space<vmem>>
    %dma_start3A_252 = arith.constant 0 : i32
    %dma_start3A_253 = arith.constant 0 : i32
    %dma_start3A_254 = tpu.memref_slice %arg7[%dma_start3A_252, %dma_start3A_253] : memref<50000x128xf32, #tpu.memory_space<hbm>> -> memref<50000x128xf32, #tpu.memory_space<hbm>>
    tpu.enqueue_indirect_dma source(%dma_start3A_254 : memref<50000x128xf32, #tpu.memory_space<hbm>>) target(%dma_start3A_248 : memref<128x128xf32, #tpu.memory_space<vmem>>) offsets(%dma_start3A_251 : memref<128xi32, #tpu.memory_space<vmem>>) semaphore(%arg25 : memref<!tpu.dma_semaphore, #tpu.memory_space<semaphore_mem>>)
    %dma_wait3A_255 = arith.constant 2 : i32
    %dma_wait3A_256 = arith.constant 0 : i32
    %dma_wait3A_257 = arith.constant 0 : i32
    %dma_wait3A_258 = tpu.memref_slice %arg23[%dma_wait3A_256, %dma_wait3A_257] : memref<256x128xf32, #tpu.memory_space<vmem>> -> memref<128x128xf32, #tpu.memory_space<vmem>>
    %dma_wait3A_259 = arith.constant 0 : i32
    %dma_wait3A_260 = tpu.memref_slice %arg18[%dma_wait3A_255, %dma_wait3A_259] : memref<4x128xi32, #tpu.memory_space<vmem>> -> memref<1x128xi32, #tpu.memory_space<vmem>>
    %dma_wait3A_261 = tpu.memref_squeeze %dma_wait3A_260 : memref<1x128xi32, #tpu.memory_space<vmem>> -> memref<128xi32, #tpu.memory_space<vmem>>
    %dma_wait3A_262 = arith.constant 0 : i32
    %dma_wait3A_263 = arith.constant 0 : i32
    %dma_wait3A_264 = tpu.memref_slice %arg8[%dma_wait3A_262, %dma_wait3A_263] : memref<500000x128xf32, #tpu.memory_space<hbm>> -> memref<500000x128xf32, #tpu.memory_space<hbm>>
    tpu.wait_indirect_dma semaphore(%arg26 : memref<!tpu.dma_semaphore, #tpu.memory_space<semaphore_mem>>) src(%dma_wait3A_264 : memref<500000x128xf32, #tpu.memory_space<hbm>>) dst(%dma_wait3A_258 : memref<128x128xf32, #tpu.memory_space<vmem>>)
    %dma_wait3A_265 = arith.constant 3 : i32
    %dma_wait3A_266 = arith.constant 128 : i32
    %dma_wait3A_267 = arith.constant 0 : i32
    %dma_wait3A_268 = tpu.memref_slice %arg23[%dma_wait3A_266, %dma_wait3A_267] : memref<256x128xf32, #tpu.memory_space<vmem>> -> memref<128x128xf32, #tpu.memory_space<vmem>>
    %dma_wait3A_269 = arith.constant 0 : i32
    %dma_wait3A_270 = tpu.memref_slice %arg18[%dma_wait3A_265, %dma_wait3A_269] : memref<4x128xi32, #tpu.memory_space<vmem>> -> memref<1x128xi32, #tpu.memory_space<vmem>>
    %dma_wait3A_271 = tpu.memref_squeeze %dma_wait3A_270 : memref<1x128xi32, #tpu.memory_space<vmem>> -> memref<128xi32, #tpu.memory_space<vmem>>
    %dma_wait3A_272 = arith.constant 0 : i32
    %dma_wait3A_273 = arith.constant 0 : i32
    %dma_wait3A_274 = tpu.memref_slice %arg8[%dma_wait3A_272, %dma_wait3A_273] : memref<500000x128xf32, #tpu.memory_space<hbm>> -> memref<500000x128xf32, #tpu.memory_space<hbm>>
    tpu.wait_indirect_dma semaphore(%arg26 : memref<!tpu.dma_semaphore, #tpu.memory_space<semaphore_mem>>) src(%dma_wait3A_274 : memref<500000x128xf32, #tpu.memory_space<hbm>>) dst(%dma_wait3A_268 : memref<128x128xf32, #tpu.memory_space<vmem>>)
    %add3A_275 = arith.constant 256 : i32
    %add3A_276 = arith.addi %mul3A_2, %add3A_275 : i32
    "tpu.region"() ({
      %run_scoped3A = tpu.sem_alloc : memref<!tpu.dma_semaphore, #tpu.memory_space<semaphore_mem>>
      %dma_start3A_509 = arith.constant 0 : i32
      %dma_start3A_510 = tpu.memref_slice %arg14[%add3A_276, %dma_start3A_509] : memref<16384x128xf32, #tpu.memory_space<hbm>> -> memref<256x128xf32, #tpu.memory_space<hbm>>
      %dma_start3A_511 = arith.constant 0 : i32
      %dma_start3A_512 = tpu.memref_slice %arg14[%add3A_276, %dma_start3A_511] : memref<16384x128xf32, #tpu.memory_space<hbm>> -> memref<256x128xf32, #tpu.memory_space<hbm>>
      tpu.enqueue_dma source(%arg23 : memref<256x128xf32, #tpu.memory_space<vmem>>) target(%dma_start3A_512 : memref<256x128xf32, #tpu.memory_space<hbm>>) target_semaphore(%run_scoped3A : memref<!tpu.dma_semaphore, #tpu.memory_space<semaphore_mem>>)
      %dma_wait3A_513 = arith.constant 0 : i32
      %dma_wait3A_514 = tpu.memref_slice %arg14[%add3A_276, %dma_wait3A_513] : memref<16384x128xf32, #tpu.memory_space<hbm>> -> memref<256x128xf32, #tpu.memory_space<hbm>>
      %dma_wait3A_515 = arith.constant 0 : i32
      %dma_wait3A_516 = tpu.memref_slice %arg14[%add3A_276, %dma_wait3A_515] : memref<16384x128xf32, #tpu.memory_space<hbm>> -> memref<256x128xf32, #tpu.memory_space<hbm>>
      tpu.wait_dma2 semaphore(%run_scoped3A : memref<!tpu.dma_semaphore, #tpu.memory_space<semaphore_mem>>) src(%arg23 : memref<256x128xf32, #tpu.memory_space<vmem>>) dst(%dma_wait3A_516 : memref<256x128xf32, #tpu.memory_space<hbm>>)
      tpu.yield
    }) : () -> ()
    %dma_start3A_277 = arith.constant 2 : i32
    %dma_start3A_278 = arith.constant 0 : i32
    %dma_start3A_279 = arith.constant 0 : i32
    %dma_start3A_280 = tpu.memref_slice %arg23[%dma_start3A_278, %dma_start3A_279] : memref<256x128xf32, #tpu.memory_space<vmem>> -> memref<128x128xf32, #tpu.memory_space<vmem>>
    %dma_start3A_281 = arith.constant 0 : i32
    %dma_start3A_282 = tpu.memref_slice %arg19[%dma_start3A_277, %dma_start3A_281] : memref<4x128xi32, #tpu.memory_space<vmem>> -> memref<1x128xi32, #tpu.memory_space<vmem>>
    %dma_start3A_283 = tpu.memref_squeeze %dma_start3A_282 : memref<1x128xi32, #tpu.memory_space<vmem>> -> memref<128xi32, #tpu.memory_space<vmem>>
    %dma_start3A_284 = arith.constant 0 : i32
    %dma_start3A_285 = arith.constant 0 : i32
    %dma_start3A_286 = tpu.memref_slice %arg7[%dma_start3A_284, %dma_start3A_285] : memref<50000x128xf32, #tpu.memory_space<hbm>> -> memref<50000x128xf32, #tpu.memory_space<hbm>>
    tpu.enqueue_indirect_dma source(%dma_start3A_286 : memref<50000x128xf32, #tpu.memory_space<hbm>>) target(%dma_start3A_280 : memref<128x128xf32, #tpu.memory_space<vmem>>) offsets(%dma_start3A_283 : memref<128xi32, #tpu.memory_space<vmem>>) semaphore(%arg26 : memref<!tpu.dma_semaphore, #tpu.memory_space<semaphore_mem>>)
    %dma_start3A_287 = arith.constant 3 : i32
    %dma_start3A_288 = arith.constant 128 : i32
    %dma_start3A_289 = arith.constant 0 : i32
    %dma_start3A_290 = tpu.memref_slice %arg23[%dma_start3A_288, %dma_start3A_289] : memref<256x128xf32, #tpu.memory_space<vmem>> -> memref<128x128xf32, #tpu.memory_space<vmem>>
    %dma_start3A_291 = arith.constant 0 : i32
    %dma_start3A_292 = tpu.memref_slice %arg19[%dma_start3A_287, %dma_start3A_291] : memref<4x128xi32, #tpu.memory_space<vmem>> -> memref<1x128xi32, #tpu.memory_space<vmem>>
    %dma_start3A_293 = tpu.memref_squeeze %dma_start3A_292 : memref<1x128xi32, #tpu.memory_space<vmem>> -> memref<128xi32, #tpu.memory_space<vmem>>
    %dma_start3A_294 = arith.constant 0 : i32
    %dma_start3A_295 = arith.constant 0 : i32
    %dma_start3A_296 = tpu.memref_slice %arg7[%dma_start3A_294, %dma_start3A_295] : memref<50000x128xf32, #tpu.memory_space<hbm>> -> memref<50000x128xf32, #tpu.memory_space<hbm>>
    tpu.enqueue_indirect_dma source(%dma_start3A_296 : memref<50000x128xf32, #tpu.memory_space<hbm>>) target(%dma_start3A_290 : memref<128x128xf32, #tpu.memory_space<vmem>>) offsets(%dma_start3A_293 : memref<128xi32, #tpu.memory_space<vmem>>) semaphore(%arg26 : memref<!tpu.dma_semaphore, #tpu.memory_space<semaphore_mem>>)
    %dma_wait3A_297 = arith.constant 0 : i32
    %dma_wait3A_298 = arith.constant 0 : i32
    %dma_wait3A_299 = arith.constant 0 : i32
    %dma_wait3A_300 = tpu.memref_slice %arg22[%dma_wait3A_298, %dma_wait3A_299] : memref<256x128xf32, #tpu.memory_space<vmem>> -> memref<128x128xf32, #tpu.memory_space<vmem>>
    %dma_wait3A_301 = arith.constant 0 : i32
    %dma_wait3A_302 = tpu.memref_slice %arg19[%dma_wait3A_297, %dma_wait3A_301] : memref<4x128xi32, #tpu.memory_space<vmem>> -> memref<1x128xi32, #tpu.memory_space<vmem>>
    %dma_wait3A_303 = tpu.memref_squeeze %dma_wait3A_302 : memref<1x128xi32, #tpu.memory_space<vmem>> -> memref<128xi32, #tpu.memory_space<vmem>>
    %dma_wait3A_304 = arith.constant 0 : i32
    %dma_wait3A_305 = arith.constant 0 : i32
    %dma_wait3A_306 = tpu.memref_slice %arg7[%dma_wait3A_304, %dma_wait3A_305] : memref<50000x128xf32, #tpu.memory_space<hbm>> -> memref<50000x128xf32, #tpu.memory_space<hbm>>
    tpu.wait_indirect_dma semaphore(%arg25 : memref<!tpu.dma_semaphore, #tpu.memory_space<semaphore_mem>>) src(%dma_wait3A_306 : memref<50000x128xf32, #tpu.memory_space<hbm>>) dst(%dma_wait3A_300 : memref<128x128xf32, #tpu.memory_space<vmem>>)
    %dma_wait3A_307 = arith.constant 1 : i32
    %dma_wait3A_308 = arith.constant 128 : i32
    %dma_wait3A_309 = arith.constant 0 : i32
    %dma_wait3A_310 = tpu.memref_slice %arg22[%dma_wait3A_308, %dma_wait3A_309] : memref<256x128xf32, #tpu.memory_space<vmem>> -> memref<128x128xf32, #tpu.memory_space<vmem>>
    %dma_wait3A_311 = arith.constant 0 : i32
    %dma_wait3A_312 = tpu.memref_slice %arg19[%dma_wait3A_307, %dma_wait3A_311] : memref<4x128xi32, #tpu.memory_space<vmem>> -> memref<1x128xi32, #tpu.memory_space<vmem>>
    %dma_wait3A_313 = tpu.memref_squeeze %dma_wait3A_312 : memref<1x128xi32, #tpu.memory_space<vmem>> -> memref<128xi32, #tpu.memory_space<vmem>>
    %dma_wait3A_314 = arith.constant 0 : i32
    %dma_wait3A_315 = arith.constant 0 : i32
    %dma_wait3A_316 = tpu.memref_slice %arg7[%dma_wait3A_314, %dma_wait3A_315] : memref<50000x128xf32, #tpu.memory_space<hbm>> -> memref<50000x128xf32, #tpu.memory_space<hbm>>
    tpu.wait_indirect_dma semaphore(%arg25 : memref<!tpu.dma_semaphore, #tpu.memory_space<semaphore_mem>>) src(%dma_wait3A_316 : memref<50000x128xf32, #tpu.memory_space<hbm>>) dst(%dma_wait3A_310 : memref<128x128xf32, #tpu.memory_space<vmem>>)
    %add3A_317 = arith.constant 0 : i32
    %add3A_318 = arith.addi %mul3A_2, %add3A_317 : i32
    "tpu.region"() ({
      %run_scoped3A = tpu.sem_alloc : memref<!tpu.dma_semaphore, #tpu.memory_space<semaphore_mem>>
      %dma_start3A_509 = arith.constant 0 : i32
      %dma_start3A_510 = tpu.memref_slice %arg13[%add3A_318, %dma_start3A_509] : memref<16384x128xf32, #tpu.memory_space<hbm>> -> memref<256x128xf32, #tpu.memory_space<hbm>>
      %dma_start3A_511 = arith.constant 0 : i32
      %dma_start3A_512 = tpu.memref_slice %arg13[%add3A_318, %dma_start3A_511] : memref<16384x128xf32, #tpu.memory_space<hbm>> -> memref<256x128xf32, #tpu.memory_space<hbm>>
      tpu.enqueue_dma source(%arg22 : memref<256x128xf32, #tpu.memory_space<vmem>>) target(%dma_start3A_512 : memref<256x128xf32, #tpu.memory_space<hbm>>) target_semaphore(%run_scoped3A : memref<!tpu.dma_semaphore, #tpu.memory_space<semaphore_mem>>)
      %dma_wait3A_513 = arith.constant 0 : i32
      %dma_wait3A_514 = tpu.memref_slice %arg13[%add3A_318, %dma_wait3A_513] : memref<16384x128xf32, #tpu.memory_space<hbm>> -> memref<256x128xf32, #tpu.memory_space<hbm>>
      %dma_wait3A_515 = arith.constant 0 : i32
      %dma_wait3A_516 = tpu.memref_slice %arg13[%add3A_318, %dma_wait3A_515] : memref<16384x128xf32, #tpu.memory_space<hbm>> -> memref<256x128xf32, #tpu.memory_space<hbm>>
      tpu.wait_dma2 semaphore(%run_scoped3A : memref<!tpu.dma_semaphore, #tpu.memory_space<semaphore_mem>>) src(%arg22 : memref<256x128xf32, #tpu.memory_space<vmem>>) dst(%dma_wait3A_516 : memref<256x128xf32, #tpu.memory_space<hbm>>)
      tpu.yield
    }) : () -> ()
    %dma_start3A_319 = arith.constant 0 : i32
    %dma_start3A_320 = arith.constant 0 : i32
    %dma_start3A_321 = arith.constant 0 : i32
    %dma_start3A_322 = tpu.memref_slice %arg22[%dma_start3A_320, %dma_start3A_321] : memref<256x128xf32, #tpu.memory_space<vmem>> -> memref<128x128xf32, #tpu.memory_space<vmem>>
    %dma_start3A_323 = arith.constant 0 : i32
    %dma_start3A_324 = tpu.memref_slice %arg19[%dma_start3A_319, %dma_start3A_323] : memref<4x128xi32, #tpu.memory_space<vmem>> -> memref<1x128xi32, #tpu.memory_space<vmem>>
    %dma_start3A_325 = tpu.memref_squeeze %dma_start3A_324 : memref<1x128xi32, #tpu.memory_space<vmem>> -> memref<128xi32, #tpu.memory_space<vmem>>
    %dma_start3A_326 = arith.constant 0 : i32
    %dma_start3A_327 = arith.constant 0 : i32
    %dma_start3A_328 = tpu.memref_slice %arg9[%dma_start3A_326, %dma_start3A_327] : memref<50000x128xf32, #tpu.memory_space<hbm>> -> memref<50000x128xf32, #tpu.memory_space<hbm>>
    tpu.enqueue_indirect_dma source(%dma_start3A_328 : memref<50000x128xf32, #tpu.memory_space<hbm>>) target(%dma_start3A_322 : memref<128x128xf32, #tpu.memory_space<vmem>>) offsets(%dma_start3A_325 : memref<128xi32, #tpu.memory_space<vmem>>) semaphore(%arg25 : memref<!tpu.dma_semaphore, #tpu.memory_space<semaphore_mem>>)
    %dma_start3A_329 = arith.constant 1 : i32
    %dma_start3A_330 = arith.constant 128 : i32
    %dma_start3A_331 = arith.constant 0 : i32
    %dma_start3A_332 = tpu.memref_slice %arg22[%dma_start3A_330, %dma_start3A_331] : memref<256x128xf32, #tpu.memory_space<vmem>> -> memref<128x128xf32, #tpu.memory_space<vmem>>
    %dma_start3A_333 = arith.constant 0 : i32
    %dma_start3A_334 = tpu.memref_slice %arg19[%dma_start3A_329, %dma_start3A_333] : memref<4x128xi32, #tpu.memory_space<vmem>> -> memref<1x128xi32, #tpu.memory_space<vmem>>
    %dma_start3A_335 = tpu.memref_squeeze %dma_start3A_334 : memref<1x128xi32, #tpu.memory_space<vmem>> -> memref<128xi32, #tpu.memory_space<vmem>>
    %dma_start3A_336 = arith.constant 0 : i32
    %dma_start3A_337 = arith.constant 0 : i32
    %dma_start3A_338 = tpu.memref_slice %arg9[%dma_start3A_336, %dma_start3A_337] : memref<50000x128xf32, #tpu.memory_space<hbm>> -> memref<50000x128xf32, #tpu.memory_space<hbm>>
    tpu.enqueue_indirect_dma source(%dma_start3A_338 : memref<50000x128xf32, #tpu.memory_space<hbm>>) target(%dma_start3A_332 : memref<128x128xf32, #tpu.memory_space<vmem>>) offsets(%dma_start3A_335 : memref<128xi32, #tpu.memory_space<vmem>>) semaphore(%arg25 : memref<!tpu.dma_semaphore, #tpu.memory_space<semaphore_mem>>)
    %dma_wait3A_339 = arith.constant 2 : i32
    %dma_wait3A_340 = arith.constant 0 : i32
    %dma_wait3A_341 = arith.constant 0 : i32
    %dma_wait3A_342 = tpu.memref_slice %arg23[%dma_wait3A_340, %dma_wait3A_341] : memref<256x128xf32, #tpu.memory_space<vmem>> -> memref<128x128xf32, #tpu.memory_space<vmem>>
    %dma_wait3A_343 = arith.constant 0 : i32
    %dma_wait3A_344 = tpu.memref_slice %arg19[%dma_wait3A_339, %dma_wait3A_343] : memref<4x128xi32, #tpu.memory_space<vmem>> -> memref<1x128xi32, #tpu.memory_space<vmem>>
    %dma_wait3A_345 = tpu.memref_squeeze %dma_wait3A_344 : memref<1x128xi32, #tpu.memory_space<vmem>> -> memref<128xi32, #tpu.memory_space<vmem>>
    %dma_wait3A_346 = arith.constant 0 : i32
    %dma_wait3A_347 = arith.constant 0 : i32
    %dma_wait3A_348 = tpu.memref_slice %arg7[%dma_wait3A_346, %dma_wait3A_347] : memref<50000x128xf32, #tpu.memory_space<hbm>> -> memref<50000x128xf32, #tpu.memory_space<hbm>>
    tpu.wait_indirect_dma semaphore(%arg26 : memref<!tpu.dma_semaphore, #tpu.memory_space<semaphore_mem>>) src(%dma_wait3A_348 : memref<50000x128xf32, #tpu.memory_space<hbm>>) dst(%dma_wait3A_342 : memref<128x128xf32, #tpu.memory_space<vmem>>)
    %dma_wait3A_349 = arith.constant 3 : i32
    %dma_wait3A_350 = arith.constant 128 : i32
    %dma_wait3A_351 = arith.constant 0 : i32
    %dma_wait3A_352 = tpu.memref_slice %arg23[%dma_wait3A_350, %dma_wait3A_351] : memref<256x128xf32, #tpu.memory_space<vmem>> -> memref<128x128xf32, #tpu.memory_space<vmem>>
    %dma_wait3A_353 = arith.constant 0 : i32
    %dma_wait3A_354 = tpu.memref_slice %arg19[%dma_wait3A_349, %dma_wait3A_353] : memref<4x128xi32, #tpu.memory_space<vmem>> -> memref<1x128xi32, #tpu.memory_space<vmem>>
    %dma_wait3A_355 = tpu.memref_squeeze %dma_wait3A_354 : memref<1x128xi32, #tpu.memory_space<vmem>> -> memref<128xi32, #tpu.memory_space<vmem>>
    %dma_wait3A_356 = arith.constant 0 : i32
    %dma_wait3A_357 = arith.constant 0 : i32
    %dma_wait3A_358 = tpu.memref_slice %arg7[%dma_wait3A_356, %dma_wait3A_357] : memref<50000x128xf32, #tpu.memory_space<hbm>> -> memref<50000x128xf32, #tpu.memory_space<hbm>>
    tpu.wait_indirect_dma semaphore(%arg26 : memref<!tpu.dma_semaphore, #tpu.memory_space<semaphore_mem>>) src(%dma_wait3A_358 : memref<50000x128xf32, #tpu.memory_space<hbm>>) dst(%dma_wait3A_352 : memref<128x128xf32, #tpu.memory_space<vmem>>)
    %add3A_359 = arith.constant 256 : i32
    %add3A_360 = arith.addi %mul3A_2, %add3A_359 : i32
    "tpu.region"() ({
      %run_scoped3A = tpu.sem_alloc : memref<!tpu.dma_semaphore, #tpu.memory_space<semaphore_mem>>
      %dma_start3A_509 = arith.constant 0 : i32
      %dma_start3A_510 = tpu.memref_slice %arg13[%add3A_360, %dma_start3A_509] : memref<16384x128xf32, #tpu.memory_space<hbm>> -> memref<256x128xf32, #tpu.memory_space<hbm>>
      %dma_start3A_511 = arith.constant 0 : i32
      %dma_start3A_512 = tpu.memref_slice %arg13[%add3A_360, %dma_start3A_511] : memref<16384x128xf32, #tpu.memory_space<hbm>> -> memref<256x128xf32, #tpu.memory_space<hbm>>
      tpu.enqueue_dma source(%arg23 : memref<256x128xf32, #tpu.memory_space<vmem>>) target(%dma_start3A_512 : memref<256x128xf32, #tpu.memory_space<hbm>>) target_semaphore(%run_scoped3A : memref<!tpu.dma_semaphore, #tpu.memory_space<semaphore_mem>>)
      %dma_wait3A_513 = arith.constant 0 : i32
      %dma_wait3A_514 = tpu.memref_slice %arg13[%add3A_360, %dma_wait3A_513] : memref<16384x128xf32, #tpu.memory_space<hbm>> -> memref<256x128xf32, #tpu.memory_space<hbm>>
      %dma_wait3A_515 = arith.constant 0 : i32
      %dma_wait3A_516 = tpu.memref_slice %arg13[%add3A_360, %dma_wait3A_515] : memref<16384x128xf32, #tpu.memory_space<hbm>> -> memref<256x128xf32, #tpu.memory_space<hbm>>
      tpu.wait_dma2 semaphore(%run_scoped3A : memref<!tpu.dma_semaphore, #tpu.memory_space<semaphore_mem>>) src(%arg23 : memref<256x128xf32, #tpu.memory_space<vmem>>) dst(%dma_wait3A_516 : memref<256x128xf32, #tpu.memory_space<hbm>>)
      tpu.yield
    }) : () -> ()
    %dma_start3A_361 = arith.constant 2 : i32
    %dma_start3A_362 = arith.constant 0 : i32
    %dma_start3A_363 = arith.constant 0 : i32
    %dma_start3A_364 = tpu.memref_slice %arg23[%dma_start3A_362, %dma_start3A_363] : memref<256x128xf32, #tpu.memory_space<vmem>> -> memref<128x128xf32, #tpu.memory_space<vmem>>
    %dma_start3A_365 = arith.constant 0 : i32
    %dma_start3A_366 = tpu.memref_slice %arg19[%dma_start3A_361, %dma_start3A_365] : memref<4x128xi32, #tpu.memory_space<vmem>> -> memref<1x128xi32, #tpu.memory_space<vmem>>
    %dma_start3A_367 = tpu.memref_squeeze %dma_start3A_366 : memref<1x128xi32, #tpu.memory_space<vmem>> -> memref<128xi32, #tpu.memory_space<vmem>>
    %dma_start3A_368 = arith.constant 0 : i32
    %dma_start3A_369 = arith.constant 0 : i32
    %dma_start3A_370 = tpu.memref_slice %arg9[%dma_start3A_368, %dma_start3A_369] : memref<50000x128xf32, #tpu.memory_space<hbm>> -> memref<50000x128xf32, #tpu.memory_space<hbm>>
    tpu.enqueue_indirect_dma source(%dma_start3A_370 : memref<50000x128xf32, #tpu.memory_space<hbm>>) target(%dma_start3A_364 : memref<128x128xf32, #tpu.memory_space<vmem>>) offsets(%dma_start3A_367 : memref<128xi32, #tpu.memory_space<vmem>>) semaphore(%arg26 : memref<!tpu.dma_semaphore, #tpu.memory_space<semaphore_mem>>)
    %dma_start3A_371 = arith.constant 3 : i32
    %dma_start3A_372 = arith.constant 128 : i32
    %dma_start3A_373 = arith.constant 0 : i32
    %dma_start3A_374 = tpu.memref_slice %arg23[%dma_start3A_372, %dma_start3A_373] : memref<256x128xf32, #tpu.memory_space<vmem>> -> memref<128x128xf32, #tpu.memory_space<vmem>>
    %dma_start3A_375 = arith.constant 0 : i32
    %dma_start3A_376 = tpu.memref_slice %arg19[%dma_start3A_371, %dma_start3A_375] : memref<4x128xi32, #tpu.memory_space<vmem>> -> memref<1x128xi32, #tpu.memory_space<vmem>>
    %dma_start3A_377 = tpu.memref_squeeze %dma_start3A_376 : memref<1x128xi32, #tpu.memory_space<vmem>> -> memref<128xi32, #tpu.memory_space<vmem>>
    %dma_start3A_378 = arith.constant 0 : i32
    %dma_start3A_379 = arith.constant 0 : i32
    %dma_start3A_380 = tpu.memref_slice %arg9[%dma_start3A_378, %dma_start3A_379] : memref<50000x128xf32, #tpu.memory_space<hbm>> -> memref<50000x128xf32, #tpu.memory_space<hbm>>
    tpu.enqueue_indirect_dma source(%dma_start3A_380 : memref<50000x128xf32, #tpu.memory_space<hbm>>) target(%dma_start3A_374 : memref<128x128xf32, #tpu.memory_space<vmem>>) offsets(%dma_start3A_377 : memref<128xi32, #tpu.memory_space<vmem>>) semaphore(%arg26 : memref<!tpu.dma_semaphore, #tpu.memory_space<semaphore_mem>>)
    %dma_wait3A_381 = arith.constant 0 : i32
    %dma_wait3A_382 = arith.constant 0 : i32
    %dma_wait3A_383 = arith.constant 0 : i32
    %dma_wait3A_384 = tpu.memref_slice %arg22[%dma_wait3A_382, %dma_wait3A_383] : memref<256x128xf32, #tpu.memory_space<vmem>> -> memref<128x128xf32, #tpu.memory_space<vmem>>
    %dma_wait3A_385 = arith.constant 0 : i32
    %dma_wait3A_386 = tpu.memref_slice %arg19[%dma_wait3A_381, %dma_wait3A_385] : memref<4x128xi32, #tpu.memory_space<vmem>> -> memref<1x128xi32, #tpu.memory_space<vmem>>
    %dma_wait3A_387 = tpu.memref_squeeze %dma_wait3A_386 : memref<1x128xi32, #tpu.memory_space<vmem>> -> memref<128xi32, #tpu.memory_space<vmem>>
    %dma_wait3A_388 = arith.constant 0 : i32
    %dma_wait3A_389 = arith.constant 0 : i32
    %dma_wait3A_390 = tpu.memref_slice %arg9[%dma_wait3A_388, %dma_wait3A_389] : memref<50000x128xf32, #tpu.memory_space<hbm>> -> memref<50000x128xf32, #tpu.memory_space<hbm>>
    tpu.wait_indirect_dma semaphore(%arg25 : memref<!tpu.dma_semaphore, #tpu.memory_space<semaphore_mem>>) src(%dma_wait3A_390 : memref<50000x128xf32, #tpu.memory_space<hbm>>) dst(%dma_wait3A_384 : memref<128x128xf32, #tpu.memory_space<vmem>>)
    %dma_wait3A_391 = arith.constant 1 : i32
    %dma_wait3A_392 = arith.constant 128 : i32
    %dma_wait3A_393 = arith.constant 0 : i32
    %dma_wait3A_394 = tpu.memref_slice %arg22[%dma_wait3A_392, %dma_wait3A_393] : memref<256x128xf32, #tpu.memory_space<vmem>> -> memref<128x128xf32, #tpu.memory_space<vmem>>
    %dma_wait3A_395 = arith.constant 0 : i32
    %dma_wait3A_396 = tpu.memref_slice %arg19[%dma_wait3A_391, %dma_wait3A_395] : memref<4x128xi32, #tpu.memory_space<vmem>> -> memref<1x128xi32, #tpu.memory_space<vmem>>
    %dma_wait3A_397 = tpu.memref_squeeze %dma_wait3A_396 : memref<1x128xi32, #tpu.memory_space<vmem>> -> memref<128xi32, #tpu.memory_space<vmem>>
    %dma_wait3A_398 = arith.constant 0 : i32
    %dma_wait3A_399 = arith.constant 0 : i32
    %dma_wait3A_400 = tpu.memref_slice %arg9[%dma_wait3A_398, %dma_wait3A_399] : memref<50000x128xf32, #tpu.memory_space<hbm>> -> memref<50000x128xf32, #tpu.memory_space<hbm>>
    tpu.wait_indirect_dma semaphore(%arg25 : memref<!tpu.dma_semaphore, #tpu.memory_space<semaphore_mem>>) src(%dma_wait3A_400 : memref<50000x128xf32, #tpu.memory_space<hbm>>) dst(%dma_wait3A_394 : memref<128x128xf32, #tpu.memory_space<vmem>>)
    %add3A_401 = arith.constant 0 : i32
    %add3A_402 = arith.addi %mul3A_2, %add3A_401 : i32
    "tpu.region"() ({
      %run_scoped3A = tpu.sem_alloc : memref<!tpu.dma_semaphore, #tpu.memory_space<semaphore_mem>>
      %dma_start3A_509 = arith.constant 0 : i32
      %dma_start3A_510 = tpu.memref_slice %arg15[%add3A_402, %dma_start3A_509] : memref<16384x128xf32, #tpu.memory_space<hbm>> -> memref<256x128xf32, #tpu.memory_space<hbm>>
      %dma_start3A_511 = arith.constant 0 : i32
      %dma_start3A_512 = tpu.memref_slice %arg15[%add3A_402, %dma_start3A_511] : memref<16384x128xf32, #tpu.memory_space<hbm>> -> memref<256x128xf32, #tpu.memory_space<hbm>>
      tpu.enqueue_dma source(%arg22 : memref<256x128xf32, #tpu.memory_space<vmem>>) target(%dma_start3A_512 : memref<256x128xf32, #tpu.memory_space<hbm>>) target_semaphore(%run_scoped3A : memref<!tpu.dma_semaphore, #tpu.memory_space<semaphore_mem>>)
      %dma_wait3A_513 = arith.constant 0 : i32
      %dma_wait3A_514 = tpu.memref_slice %arg15[%add3A_402, %dma_wait3A_513] : memref<16384x128xf32, #tpu.memory_space<hbm>> -> memref<256x128xf32, #tpu.memory_space<hbm>>
      %dma_wait3A_515 = arith.constant 0 : i32
      %dma_wait3A_516 = tpu.memref_slice %arg15[%add3A_402, %dma_wait3A_515] : memref<16384x128xf32, #tpu.memory_space<hbm>> -> memref<256x128xf32, #tpu.memory_space<hbm>>
      tpu.wait_dma2 semaphore(%run_scoped3A : memref<!tpu.dma_semaphore, #tpu.memory_space<semaphore_mem>>) src(%arg22 : memref<256x128xf32, #tpu.memory_space<vmem>>) dst(%dma_wait3A_516 : memref<256x128xf32, #tpu.memory_space<hbm>>)
      tpu.yield
    }) : () -> ()
    %dma_wait3A_403 = arith.constant 2 : i32
    %dma_wait3A_404 = arith.constant 0 : i32
    %dma_wait3A_405 = arith.constant 0 : i32
    %dma_wait3A_406 = tpu.memref_slice %arg23[%dma_wait3A_404, %dma_wait3A_405] : memref<256x128xf32, #tpu.memory_space<vmem>> -> memref<128x128xf32, #tpu.memory_space<vmem>>
    %dma_wait3A_407 = arith.constant 0 : i32
    %dma_wait3A_408 = tpu.memref_slice %arg19[%dma_wait3A_403, %dma_wait3A_407] : memref<4x128xi32, #tpu.memory_space<vmem>> -> memref<1x128xi32, #tpu.memory_space<vmem>>
    %dma_wait3A_409 = tpu.memref_squeeze %dma_wait3A_408 : memref<1x128xi32, #tpu.memory_space<vmem>> -> memref<128xi32, #tpu.memory_space<vmem>>
    %dma_wait3A_410 = arith.constant 0 : i32
    %dma_wait3A_411 = arith.constant 0 : i32
    %dma_wait3A_412 = tpu.memref_slice %arg9[%dma_wait3A_410, %dma_wait3A_411] : memref<50000x128xf32, #tpu.memory_space<hbm>> -> memref<50000x128xf32, #tpu.memory_space<hbm>>
    tpu.wait_indirect_dma semaphore(%arg26 : memref<!tpu.dma_semaphore, #tpu.memory_space<semaphore_mem>>) src(%dma_wait3A_412 : memref<50000x128xf32, #tpu.memory_space<hbm>>) dst(%dma_wait3A_406 : memref<128x128xf32, #tpu.memory_space<vmem>>)
    %dma_wait3A_413 = arith.constant 3 : i32
    %dma_wait3A_414 = arith.constant 128 : i32
    %dma_wait3A_415 = arith.constant 0 : i32
    %dma_wait3A_416 = tpu.memref_slice %arg23[%dma_wait3A_414, %dma_wait3A_415] : memref<256x128xf32, #tpu.memory_space<vmem>> -> memref<128x128xf32, #tpu.memory_space<vmem>>
    %dma_wait3A_417 = arith.constant 0 : i32
    %dma_wait3A_418 = tpu.memref_slice %arg19[%dma_wait3A_413, %dma_wait3A_417] : memref<4x128xi32, #tpu.memory_space<vmem>> -> memref<1x128xi32, #tpu.memory_space<vmem>>
    %dma_wait3A_419 = tpu.memref_squeeze %dma_wait3A_418 : memref<1x128xi32, #tpu.memory_space<vmem>> -> memref<128xi32, #tpu.memory_space<vmem>>
    %dma_wait3A_420 = arith.constant 0 : i32
    %dma_wait3A_421 = arith.constant 0 : i32
    %dma_wait3A_422 = tpu.memref_slice %arg9[%dma_wait3A_420, %dma_wait3A_421] : memref<50000x128xf32, #tpu.memory_space<hbm>> -> memref<50000x128xf32, #tpu.memory_space<hbm>>
    tpu.wait_indirect_dma semaphore(%arg26 : memref<!tpu.dma_semaphore, #tpu.memory_space<semaphore_mem>>) src(%dma_wait3A_422 : memref<50000x128xf32, #tpu.memory_space<hbm>>) dst(%dma_wait3A_416 : memref<128x128xf32, #tpu.memory_space<vmem>>)
    %add3A_423 = arith.constant 256 : i32
    %add3A_424 = arith.addi %mul3A_2, %add3A_423 : i32
    "tpu.region"() ({
      %run_scoped3A = tpu.sem_alloc : memref<!tpu.dma_semaphore, #tpu.memory_space<semaphore_mem>>
      %dma_start3A_509 = arith.constant 0 : i32
      %dma_start3A_510 = tpu.memref_slice %arg15[%add3A_424, %dma_start3A_509] : memref<16384x128xf32, #tpu.memory_space<hbm>> -> memref<256x128xf32, #tpu.memory_space<hbm>>
      %dma_start3A_511 = arith.constant 0 : i32
      %dma_start3A_512 = tpu.memref_slice %arg15[%add3A_424, %dma_start3A_511] : memref<16384x128xf32, #tpu.memory_space<hbm>> -> memref<256x128xf32, #tpu.memory_space<hbm>>
      tpu.enqueue_dma source(%arg23 : memref<256x128xf32, #tpu.memory_space<vmem>>) target(%dma_start3A_512 : memref<256x128xf32, #tpu.memory_space<hbm>>) target_semaphore(%run_scoped3A : memref<!tpu.dma_semaphore, #tpu.memory_space<semaphore_mem>>)
      %dma_wait3A_513 = arith.constant 0 : i32
      %dma_wait3A_514 = tpu.memref_slice %arg15[%add3A_424, %dma_wait3A_513] : memref<16384x128xf32, #tpu.memory_space<hbm>> -> memref<256x128xf32, #tpu.memory_space<hbm>>
      %dma_wait3A_515 = arith.constant 0 : i32
      %dma_wait3A_516 = tpu.memref_slice %arg15[%add3A_424, %dma_wait3A_515] : memref<16384x128xf32, #tpu.memory_space<hbm>> -> memref<256x128xf32, #tpu.memory_space<hbm>>
      tpu.wait_dma2 semaphore(%run_scoped3A : memref<!tpu.dma_semaphore, #tpu.memory_space<semaphore_mem>>) src(%arg23 : memref<256x128xf32, #tpu.memory_space<vmem>>) dst(%dma_wait3A_516 : memref<256x128xf32, #tpu.memory_space<hbm>>)
      tpu.yield
    }) : () -> ()
    %dma_wait3A_425 = arith.constant 0 : i32
    %dma_wait3A_426 = arith.constant 0 : i32
    %dma_wait3A_427 = arith.constant 0 : i32
    %dma_wait3A_428 = tpu.memref_slice %arg24[%dma_wait3A_426, %dma_wait3A_427] : memref<8x128xf32, #tpu.memory_space<vmem>> -> memref<1x128xf32, #tpu.memory_space<vmem>>
    %dma_wait3A_429 = tpu.memref_squeeze %dma_wait3A_428 : memref<1x128xf32, #tpu.memory_space<vmem>> -> memref<128xf32, #tpu.memory_space<vmem>>
    %dma_wait3A_430 = arith.constant 0 : i32
    %dma_wait3A_431 = tpu.memref_slice %arg20[%dma_wait3A_425, %dma_wait3A_430] : memref<4x128xi32, #tpu.memory_space<vmem>> -> memref<1x128xi32, #tpu.memory_space<vmem>>
    %dma_wait3A_432 = tpu.memref_squeeze %dma_wait3A_431 : memref<1x128xi32, #tpu.memory_space<vmem>> -> memref<128xi32, #tpu.memory_space<vmem>>
    %dma_wait3A_433 = arith.constant 0 : i32
    %dma_wait3A_434 = tpu.memref_slice %arg10[%dma_wait3A_433] : memref<1000000xf32, #tpu.memory_space<hbm>> -> memref<1000000xf32, #tpu.memory_space<hbm>>
    tpu.wait_indirect_dma semaphore(%arg27 : memref<!tpu.dma_semaphore, #tpu.memory_space<semaphore_mem>>) src(%dma_wait3A_434 : memref<1000000xf32, #tpu.memory_space<hbm>>) dst(%dma_wait3A_429 : memref<128xf32, #tpu.memory_space<vmem>>)
    %dma_wait3A_435 = arith.constant 1 : i32
    %dma_wait3A_436 = arith.constant 1 : i32
    %dma_wait3A_437 = arith.constant 0 : i32
    %dma_wait3A_438 = tpu.memref_slice %arg24[%dma_wait3A_436, %dma_wait3A_437] : memref<8x128xf32, #tpu.memory_space<vmem>> -> memref<1x128xf32, #tpu.memory_space<vmem>>
    %dma_wait3A_439 = tpu.memref_squeeze %dma_wait3A_438 : memref<1x128xf32, #tpu.memory_space<vmem>> -> memref<128xf32, #tpu.memory_space<vmem>>
    %dma_wait3A_440 = arith.constant 0 : i32
    %dma_wait3A_441 = tpu.memref_slice %arg20[%dma_wait3A_435, %dma_wait3A_440] : memref<4x128xi32, #tpu.memory_space<vmem>> -> memref<1x128xi32, #tpu.memory_space<vmem>>
    %dma_wait3A_442 = tpu.memref_squeeze %dma_wait3A_441 : memref<1x128xi32, #tpu.memory_space<vmem>> -> memref<128xi32, #tpu.memory_space<vmem>>
    %dma_wait3A_443 = arith.constant 0 : i32
    %dma_wait3A_444 = tpu.memref_slice %arg10[%dma_wait3A_443] : memref<1000000xf32, #tpu.memory_space<hbm>> -> memref<1000000xf32, #tpu.memory_space<hbm>>
    tpu.wait_indirect_dma semaphore(%arg27 : memref<!tpu.dma_semaphore, #tpu.memory_space<semaphore_mem>>) src(%dma_wait3A_444 : memref<1000000xf32, #tpu.memory_space<hbm>>) dst(%dma_wait3A_439 : memref<128xf32, #tpu.memory_space<vmem>>)
    %dma_wait3A_445 = arith.constant 2 : i32
    %dma_wait3A_446 = arith.constant 2 : i32
    %dma_wait3A_447 = arith.constant 0 : i32
    %dma_wait3A_448 = tpu.memref_slice %arg24[%dma_wait3A_446, %dma_wait3A_447] : memref<8x128xf32, #tpu.memory_space<vmem>> -> memref<1x128xf32, #tpu.memory_space<vmem>>
    %dma_wait3A_449 = tpu.memref_squeeze %dma_wait3A_448 : memref<1x128xf32, #tpu.memory_space<vmem>> -> memref<128xf32, #tpu.memory_space<vmem>>
    %dma_wait3A_450 = arith.constant 0 : i32
    %dma_wait3A_451 = tpu.memref_slice %arg20[%dma_wait3A_445, %dma_wait3A_450] : memref<4x128xi32, #tpu.memory_space<vmem>> -> memref<1x128xi32, #tpu.memory_space<vmem>>
    %dma_wait3A_452 = tpu.memref_squeeze %dma_wait3A_451 : memref<1x128xi32, #tpu.memory_space<vmem>> -> memref<128xi32, #tpu.memory_space<vmem>>
    %dma_wait3A_453 = arith.constant 0 : i32
    %dma_wait3A_454 = tpu.memref_slice %arg10[%dma_wait3A_453] : memref<1000000xf32, #tpu.memory_space<hbm>> -> memref<1000000xf32, #tpu.memory_space<hbm>>
    tpu.wait_indirect_dma semaphore(%arg27 : memref<!tpu.dma_semaphore, #tpu.memory_space<semaphore_mem>>) src(%dma_wait3A_454 : memref<1000000xf32, #tpu.memory_space<hbm>>) dst(%dma_wait3A_449 : memref<128xf32, #tpu.memory_space<vmem>>)
    %dma_wait3A_455 = arith.constant 3 : i32
    %dma_wait3A_456 = arith.constant 3 : i32
    %dma_wait3A_457 = arith.constant 0 : i32
    %dma_wait3A_458 = tpu.memref_slice %arg24[%dma_wait3A_456, %dma_wait3A_457] : memref<8x128xf32, #tpu.memory_space<vmem>> -> memref<1x128xf32, #tpu.memory_space<vmem>>
    %dma_wait3A_459 = tpu.memref_squeeze %dma_wait3A_458 : memref<1x128xf32, #tpu.memory_space<vmem>> -> memref<128xf32, #tpu.memory_space<vmem>>
    %dma_wait3A_460 = arith.constant 0 : i32
    %dma_wait3A_461 = tpu.memref_slice %arg20[%dma_wait3A_455, %dma_wait3A_460] : memref<4x128xi32, #tpu.memory_space<vmem>> -> memref<1x128xi32, #tpu.memory_space<vmem>>
    %dma_wait3A_462 = tpu.memref_squeeze %dma_wait3A_461 : memref<1x128xi32, #tpu.memory_space<vmem>> -> memref<128xi32, #tpu.memory_space<vmem>>
    %dma_wait3A_463 = arith.constant 0 : i32
    %dma_wait3A_464 = tpu.memref_slice %arg10[%dma_wait3A_463] : memref<1000000xf32, #tpu.memory_space<hbm>> -> memref<1000000xf32, #tpu.memory_space<hbm>>
    tpu.wait_indirect_dma semaphore(%arg27 : memref<!tpu.dma_semaphore, #tpu.memory_space<semaphore_mem>>) src(%dma_wait3A_464 : memref<1000000xf32, #tpu.memory_space<hbm>>) dst(%dma_wait3A_459 : memref<128xf32, #tpu.memory_space<vmem>>)
    %dma_wait3A_465 = arith.constant 0 : i32
    %dma_wait3A_466 = arith.constant 4 : i32
    %dma_wait3A_467 = arith.constant 0 : i32
    %dma_wait3A_468 = tpu.memref_slice %arg24[%dma_wait3A_466, %dma_wait3A_467] : memref<8x128xf32, #tpu.memory_space<vmem>> -> memref<1x128xf32, #tpu.memory_space<vmem>>
    %dma_wait3A_469 = tpu.memref_squeeze %dma_wait3A_468 : memref<1x128xf32, #tpu.memory_space<vmem>> -> memref<128xf32, #tpu.memory_space<vmem>>
    %dma_wait3A_470 = arith.constant 0 : i32
    %dma_wait3A_471 = tpu.memref_slice %arg21[%dma_wait3A_465, %dma_wait3A_470] : memref<4x128xi32, #tpu.memory_space<vmem>> -> memref<1x128xi32, #tpu.memory_space<vmem>>
    %dma_wait3A_472 = tpu.memref_squeeze %dma_wait3A_471 : memref<1x128xi32, #tpu.memory_space<vmem>> -> memref<128xi32, #tpu.memory_space<vmem>>
    %dma_wait3A_473 = arith.constant 0 : i32
    %dma_wait3A_474 = tpu.memref_slice %arg11[%dma_wait3A_473] : memref<100000xf32, #tpu.memory_space<hbm>> -> memref<100000xf32, #tpu.memory_space<hbm>>
    tpu.wait_indirect_dma semaphore(%arg27 : memref<!tpu.dma_semaphore, #tpu.memory_space<semaphore_mem>>) src(%dma_wait3A_474 : memref<100000xf32, #tpu.memory_space<hbm>>) dst(%dma_wait3A_469 : memref<128xf32, #tpu.memory_space<vmem>>)
    %dma_wait3A_475 = arith.constant 1 : i32
    %dma_wait3A_476 = arith.constant 5 : i32
    %dma_wait3A_477 = arith.constant 0 : i32
    %dma_wait3A_478 = tpu.memref_slice %arg24[%dma_wait3A_476, %dma_wait3A_477] : memref<8x128xf32, #tpu.memory_space<vmem>> -> memref<1x128xf32, #tpu.memory_space<vmem>>
    %dma_wait3A_479 = tpu.memref_squeeze %dma_wait3A_478 : memref<1x128xf32, #tpu.memory_space<vmem>> -> memref<128xf32, #tpu.memory_space<vmem>>
    %dma_wait3A_480 = arith.constant 0 : i32
    %dma_wait3A_481 = tpu.memref_slice %arg21[%dma_wait3A_475, %dma_wait3A_480] : memref<4x128xi32, #tpu.memory_space<vmem>> -> memref<1x128xi32, #tpu.memory_space<vmem>>
    %dma_wait3A_482 = tpu.memref_squeeze %dma_wait3A_481 : memref<1x128xi32, #tpu.memory_space<vmem>> -> memref<128xi32, #tpu.memory_space<vmem>>
    %dma_wait3A_483 = arith.constant 0 : i32
    %dma_wait3A_484 = tpu.memref_slice %arg11[%dma_wait3A_483] : memref<100000xf32, #tpu.memory_space<hbm>> -> memref<100000xf32, #tpu.memory_space<hbm>>
    tpu.wait_indirect_dma semaphore(%arg27 : memref<!tpu.dma_semaphore, #tpu.memory_space<semaphore_mem>>) src(%dma_wait3A_484 : memref<100000xf32, #tpu.memory_space<hbm>>) dst(%dma_wait3A_479 : memref<128xf32, #tpu.memory_space<vmem>>)
    %dma_wait3A_485 = arith.constant 2 : i32
    %dma_wait3A_486 = arith.constant 6 : i32
    %dma_wait3A_487 = arith.constant 0 : i32
    %dma_wait3A_488 = tpu.memref_slice %arg24[%dma_wait3A_486, %dma_wait3A_487] : memref<8x128xf32, #tpu.memory_space<vmem>> -> memref<1x128xf32, #tpu.memory_space<vmem>>
    %dma_wait3A_489 = tpu.memref_squeeze %dma_wait3A_488 : memref<1x128xf32, #tpu.memory_space<vmem>> -> memref<128xf32, #tpu.memory_space<vmem>>
    %dma_wait3A_490 = arith.constant 0 : i32
    %dma_wait3A_491 = tpu.memref_slice %arg21[%dma_wait3A_485, %dma_wait3A_490] : memref<4x128xi32, #tpu.memory_space<vmem>> -> memref<1x128xi32, #tpu.memory_space<vmem>>
    %dma_wait3A_492 = tpu.memref_squeeze %dma_wait3A_491 : memref<1x128xi32, #tpu.memory_space<vmem>> -> memref<128xi32, #tpu.memory_space<vmem>>
    %dma_wait3A_493 = arith.constant 0 : i32
    %dma_wait3A_494 = tpu.memref_slice %arg11[%dma_wait3A_493] : memref<100000xf32, #tpu.memory_space<hbm>> -> memref<100000xf32, #tpu.memory_space<hbm>>
    tpu.wait_indirect_dma semaphore(%arg27 : memref<!tpu.dma_semaphore, #tpu.memory_space<semaphore_mem>>) src(%dma_wait3A_494 : memref<100000xf32, #tpu.memory_space<hbm>>) dst(%dma_wait3A_489 : memref<128xf32, #tpu.memory_space<vmem>>)
    %dma_wait3A_495 = arith.constant 3 : i32
    %dma_wait3A_496 = arith.constant 7 : i32
    %dma_wait3A_497 = arith.constant 0 : i32
    %dma_wait3A_498 = tpu.memref_slice %arg24[%dma_wait3A_496, %dma_wait3A_497] : memref<8x128xf32, #tpu.memory_space<vmem>> -> memref<1x128xf32, #tpu.memory_space<vmem>>
    %dma_wait3A_499 = tpu.memref_squeeze %dma_wait3A_498 : memref<1x128xf32, #tpu.memory_space<vmem>> -> memref<128xf32, #tpu.memory_space<vmem>>
    %dma_wait3A_500 = arith.constant 0 : i32
    %dma_wait3A_501 = tpu.memref_slice %arg21[%dma_wait3A_495, %dma_wait3A_500] : memref<4x128xi32, #tpu.memory_space<vmem>> -> memref<1x128xi32, #tpu.memory_space<vmem>>
    %dma_wait3A_502 = tpu.memref_squeeze %dma_wait3A_501 : memref<1x128xi32, #tpu.memory_space<vmem>> -> memref<128xi32, #tpu.memory_space<vmem>>
    %dma_wait3A_503 = arith.constant 0 : i32
    %dma_wait3A_504 = tpu.memref_slice %arg11[%dma_wait3A_503] : memref<100000xf32, #tpu.memory_space<hbm>> -> memref<100000xf32, #tpu.memory_space<hbm>>
    tpu.wait_indirect_dma semaphore(%arg27 : memref<!tpu.dma_semaphore, #tpu.memory_space<semaphore_mem>>) src(%dma_wait3A_504 : memref<100000xf32, #tpu.memory_space<hbm>>) dst(%dma_wait3A_499 : memref<128xf32, #tpu.memory_space<vmem>>)
    %mul3A_505 = arith.constant 4 : i32
    %mul3A_506 = arith.muli %add3A, %mul3A_505 : i32
    "tpu.region"() ({
      %run_scoped3A = tpu.sem_alloc : memref<!tpu.dma_semaphore, #tpu.memory_space<semaphore_mem>>
      %dma_start3A_509 = arith.constant 0 : i32
      %dma_start3A_510 = arith.constant 0 : i32
      %dma_start3A_511 = tpu.memref_slice %arg24[%dma_start3A_509, %dma_start3A_510] : memref<8x128xf32, #tpu.memory_space<vmem>> -> memref<4x128xf32, #tpu.memory_space<vmem>>
      %dma_start3A_512 = arith.constant 0 : i32
      %dma_start3A_513 = tpu.memref_slice %arg16[%mul3A_506, %dma_start3A_512] : memref<128x128xf32, #tpu.memory_space<hbm>> -> memref<4x128xf32, #tpu.memory_space<hbm>>
      %dma_start3A_514 = arith.constant 0 : i32
      %dma_start3A_515 = tpu.memref_slice %arg16[%mul3A_506, %dma_start3A_514] : memref<128x128xf32, #tpu.memory_space<hbm>> -> memref<4x128xf32, #tpu.memory_space<hbm>>
      %dma_start3A_516 = arith.constant 0 : i32
      %dma_start3A_517 = arith.constant 0 : i32
      %dma_start3A_518 = tpu.memref_slice %arg24[%dma_start3A_516, %dma_start3A_517] : memref<8x128xf32, #tpu.memory_space<vmem>> -> memref<4x128xf32, #tpu.memory_space<vmem>>
      tpu.enqueue_dma source(%dma_start3A_518 : memref<4x128xf32, #tpu.memory_space<vmem>>) target(%dma_start3A_515 : memref<4x128xf32, #tpu.memory_space<hbm>>) target_semaphore(%run_scoped3A : memref<!tpu.dma_semaphore, #tpu.memory_space<semaphore_mem>>)
      %dma_wait3A_519 = arith.constant 0 : i32
      %dma_wait3A_520 = arith.constant 0 : i32
      %dma_wait3A_521 = tpu.memref_slice %arg24[%dma_wait3A_519, %dma_wait3A_520] : memref<8x128xf32, #tpu.memory_space<vmem>> -> memref<4x128xf32, #tpu.memory_space<vmem>>
      %dma_wait3A_522 = arith.constant 0 : i32
      %dma_wait3A_523 = tpu.memref_slice %arg16[%mul3A_506, %dma_wait3A_522] : memref<128x128xf32, #tpu.memory_space<hbm>> -> memref<4x128xf32, #tpu.memory_space<hbm>>
      %dma_wait3A_524 = arith.constant 0 : i32
      %dma_wait3A_525 = tpu.memref_slice %arg16[%mul3A_506, %dma_wait3A_524] : memref<128x128xf32, #tpu.memory_space<hbm>> -> memref<4x128xf32, #tpu.memory_space<hbm>>
      %dma_wait3A_526 = arith.constant 0 : i32
      %dma_wait3A_527 = arith.constant 0 : i32
      %dma_wait3A_528 = tpu.memref_slice %arg24[%dma_wait3A_526, %dma_wait3A_527] : memref<8x128xf32, #tpu.memory_space<vmem>> -> memref<4x128xf32, #tpu.memory_space<vmem>>
      tpu.wait_dma2 semaphore(%run_scoped3A : memref<!tpu.dma_semaphore, #tpu.memory_space<semaphore_mem>>) src(%dma_wait3A_528 : memref<4x128xf32, #tpu.memory_space<vmem>>) dst(%dma_wait3A_525 : memref<4x128xf32, #tpu.memory_space<hbm>>)
      tpu.yield
    }) : () -> ()
    %mul3A_507 = arith.constant 4 : i32
    %mul3A_508 = arith.muli %add3A, %mul3A_507 : i32
    "tpu.region"() ({
      %run_scoped3A = tpu.sem_alloc : memref<!tpu.dma_semaphore, #tpu.memory_space<semaphore_mem>>
      %dma_start3A_509 = arith.constant 4 : i32
      %dma_start3A_510 = arith.constant 0 : i32
      %dma_start3A_511 = tpu.memref_slice %arg24[%dma_start3A_509, %dma_start3A_510] : memref<8x128xf32, #tpu.memory_space<vmem>> -> memref<4x128xf32, #tpu.memory_space<vmem>>
      %dma_start3A_512 = arith.constant 0 : i32
      %dma_start3A_513 = tpu.memref_slice %arg17[%mul3A_508, %dma_start3A_512] : memref<128x128xf32, #tpu.memory_space<hbm>> -> memref<4x128xf32, #tpu.memory_space<hbm>>
      %dma_start3A_514 = arith.constant 0 : i32
      %dma_start3A_515 = tpu.memref_slice %arg17[%mul3A_508, %dma_start3A_514] : memref<128x128xf32, #tpu.memory_space<hbm>> -> memref<4x128xf32, #tpu.memory_space<hbm>>
      %dma_start3A_516 = arith.constant 4 : i32
      %dma_start3A_517 = arith.constant 0 : i32
      %dma_start3A_518 = tpu.memref_slice %arg24[%dma_start3A_516, %dma_start3A_517] : memref<8x128xf32, #tpu.memory_space<vmem>> -> memref<4x128xf32, #tpu.memory_space<vmem>>
      tpu.enqueue_dma source(%dma_start3A_518 : memref<4x128xf32, #tpu.memory_space<vmem>>) target(%dma_start3A_515 : memref<4x128xf32, #tpu.memory_space<hbm>>) target_semaphore(%run_scoped3A : memref<!tpu.dma_semaphore, #tpu.memory_space<semaphore_mem>>)
      %dma_wait3A_519 = arith.constant 4 : i32
      %dma_wait3A_520 = arith.constant 0 : i32
      %dma_wait3A_521 = tpu.memref_slice %arg24[%dma_wait3A_519, %dma_wait3A_520] : memref<8x128xf32, #tpu.memory_space<vmem>> -> memref<4x128xf32, #tpu.memory_space<vmem>>
      %dma_wait3A_522 = arith.constant 0 : i32
      %dma_wait3A_523 = tpu.memref_slice %arg17[%mul3A_508, %dma_wait3A_522] : memref<128x128xf32, #tpu.memory_space<hbm>> -> memref<4x128xf32, #tpu.memory_space<hbm>>
      %dma_wait3A_524 = arith.constant 0 : i32
      %dma_wait3A_525 = tpu.memref_slice %arg17[%mul3A_508, %dma_wait3A_524] : memref<128x128xf32, #tpu.memory_space<hbm>> -> memref<4x128xf32, #tpu.memory_space<hbm>>
      %dma_wait3A_526 = arith.constant 4 : i32
      %dma_wait3A_527 = arith.constant 0 : i32
      %dma_wait3A_528 = tpu.memref_slice %arg24[%dma_wait3A_526, %dma_wait3A_527] : memref<8x128xf32, #tpu.memory_space<vmem>> -> memref<4x128xf32, #tpu.memory_space<vmem>>
      tpu.wait_dma2 semaphore(%run_scoped3A : memref<!tpu.dma_semaphore, #tpu.memory_space<semaphore_mem>>) src(%dma_wait3A_528 : memref<4x128xf32, #tpu.memory_space<vmem>>) dst(%dma_wait3A_525 : memref<4x128xf32, #tpu.memory_space<hbm>>)
      tpu.yield
    }) : () -> ()
    return
  }
}

module attributes {stable_mosaic.version = 14 : i64} {
  func.func @_tc_dense_body(%arg0: i32, %arg1: memref<2048x1xi32, #tpu.memory_space<vmem>>, %arg2: memref<2048x1xi32, #tpu.memory_space<vmem>>, %arg3: memref<2048x128xf32, #tpu.memory_space<vmem>>, %arg4: memref<2048x128xf32, #tpu.memory_space<vmem>>, %arg5: memref<2048x128xf32, #tpu.memory_space<vmem>>, %arg6: memref<2048x128xf32, #tpu.memory_space<vmem>>, %arg7: memref<2048x1xf32, #tpu.memory_space<vmem>>, %arg8: memref<2048x1xf32, #tpu.memory_space<vmem>>, %arg9: memref<128x64xf32, #tpu.memory_space<vmem>>, %arg10: memref<1x64xf32, #tpu.memory_space<vmem>>, %arg11: memref<64x16xf32, #tpu.memory_space<vmem>>, %arg12: memref<1x16xf32, #tpu.memory_space<vmem>>, %arg13: memref<16x1xf32, #tpu.memory_space<vmem>>, %arg14: memref<1x1xf32, #tpu.memory_space<vmem>>, %arg15: memref<2x1xf32, #tpu.memory_space<vmem>>, %arg16: memref<1x1xf32, #tpu.memory_space<vmem>>, %arg17: memref<2048x1xf32, #tpu.memory_space<vmem>>) attributes {dimension_semantics = [#tpu.dimension_semantics<arbitrary>], iteration_bounds = array<i64: 8>, scalar_prefetch = 0 : i64, scratch_operands = 0 : i64, tpu.core_type = #tpu.core_type<tc>, window_params = [{transform_indices = @transform_0, window_bounds = array<i64: 2048, 1>}, {transform_indices = @transform_1, window_bounds = array<i64: 2048, 1>}, {transform_indices = @transform_2, window_bounds = array<i64: 2048, 128>}, {transform_indices = @transform_3, window_bounds = array<i64: 2048, 128>}, {transform_indices = @transform_4, window_bounds = array<i64: 2048, 128>}, {transform_indices = @transform_5, window_bounds = array<i64: 2048, 128>}, {transform_indices = @transform_6, window_bounds = array<i64: 2048, 1>}, {transform_indices = @transform_7, window_bounds = array<i64: 2048, 1>}, {pipeline_mode = #tpu.pipeline_mode<synchronous>, transform_indices = @transform_8, window_bounds = array<i64: 128, 64>}, {pipeline_mode = #tpu.pipeline_mode<synchronous>, transform_indices = @transform_9, window_bounds = array<i64: 1, 64>}, {pipeline_mode = #tpu.pipeline_mode<synchronous>, transform_indices = @transform_10, window_bounds = array<i64: 64, 16>}, {pipeline_mode = #tpu.pipeline_mode<synchronous>, transform_indices = @transform_11, window_bounds = array<i64: 1, 16>}, {pipeline_mode = #tpu.pipeline_mode<synchronous>, transform_indices = @transform_12, window_bounds = array<i64: 16, 1>}, {pipeline_mode = #tpu.pipeline_mode<synchronous>, transform_indices = @transform_13, window_bounds = array<i64: 1, 1>}, {pipeline_mode = #tpu.pipeline_mode<synchronous>, transform_indices = @transform_14, window_bounds = array<i64: 2, 1>}, {pipeline_mode = #tpu.pipeline_mode<synchronous>, transform_indices = @transform_15, window_bounds = array<i64: 1, 1>}, {transform_indices = @transform_16, window_bounds = array<i64: 2048, 1>}]} {
    %get3A = arith.constant 0 : index
    %get3A_0 = arith.constant 0 : index
    %get3A_1 = vector.load %arg1[%get3A, %get3A_0] : memref<2048x1xi32, #tpu.memory_space<vmem>>, vector<2048x1xi32>
    %and3A = arith.constant 1 : i32
    %and3A_2 = vector.broadcast %and3A : i32 to vector<2048x1xi32>
    %and3A_3 = arith.andi %get3A_1, %and3A_2 : vector<2048x1xi32>
    %eq3A = arith.constant 1 : i32
    %eq3A_4 = vector.broadcast %eq3A : i32 to vector<2048x1xi32>
    %eq3A_5 = arith.cmpi eq, %and3A_3, %eq3A_4 : vector<2048x1xi32>
    %get3A_6 = arith.constant 0 : index
    %get3A_7 = arith.constant 0 : index
    %get3A_8 = vector.load %arg2[%get3A_6, %get3A_7] : memref<2048x1xi32, #tpu.memory_space<vmem>>, vector<2048x1xi32>
    %and3A_9 = arith.constant 1 : i32
    %and3A_10 = vector.broadcast %and3A_9 : i32 to vector<2048x1xi32>
    %and3A_11 = arith.andi %get3A_8, %and3A_10 : vector<2048x1xi32>
    %eq3A_12 = arith.constant 1 : i32
    %eq3A_13 = vector.broadcast %eq3A_12 : i32 to vector<2048x1xi32>
    %eq3A_14 = arith.cmpi eq, %and3A_11, %eq3A_13 : vector<2048x1xi32>
    %get3A_15 = arith.constant 0 : index
    %get3A_16 = arith.constant 0 : index
    %get3A_17 = vector.load %arg3[%get3A_15, %get3A_16] : memref<2048x128xf32, #tpu.memory_space<vmem>>, vector<2048x128xf32>
    %slice3A = vector.extract_strided_slice %get3A_17 {offsets = [0, 64], sizes = [2048, 64], strides = [1, 1]} : vector<2048x128xf32> to vector<2048x64xf32>
    %slice3A_18 = vector.extract_strided_slice %get3A_17 {offsets = [0, 0], sizes = [2048, 64], strides = [1, 1]} : vector<2048x128xf32> to vector<2048x64xf32>
    %broadcast_in_dim3A = vector.shape_cast %eq3A_5 : vector<2048x1xi1> to vector<2048x1xi1>
    %broadcast_in_dim3A_19 = vector.broadcast %broadcast_in_dim3A : vector<2048x1xi1> to vector<2048x64xi1>
    %select_n3A = arith.select %broadcast_in_dim3A_19, %slice3A, %slice3A_18 : vector<2048x64xi1>, vector<2048x64xf32>
    %get3A_20 = arith.constant 0 : index
    %get3A_21 = arith.constant 0 : index
    %get3A_22 = vector.load %arg4[%get3A_20, %get3A_21] : memref<2048x128xf32, #tpu.memory_space<vmem>>, vector<2048x128xf32>
    %slice3A_23 = vector.extract_strided_slice %get3A_22 {offsets = [0, 64], sizes = [2048, 64], strides = [1, 1]} : vector<2048x128xf32> to vector<2048x64xf32>
    %slice3A_24 = vector.extract_strided_slice %get3A_22 {offsets = [0, 0], sizes = [2048, 64], strides = [1, 1]} : vector<2048x128xf32> to vector<2048x64xf32>
    %broadcast_in_dim3A_25 = vector.shape_cast %eq3A_14 : vector<2048x1xi1> to vector<2048x1xi1>
    %broadcast_in_dim3A_26 = vector.broadcast %broadcast_in_dim3A_25 : vector<2048x1xi1> to vector<2048x64xi1>
    %select_n3A_27 = arith.select %broadcast_in_dim3A_26, %slice3A_23, %slice3A_24 : vector<2048x64xi1>, vector<2048x64xf32>
    %get3A_28 = arith.constant 0 : index
    %get3A_29 = arith.constant 0 : index
    %get3A_30 = vector.load %arg5[%get3A_28, %get3A_29] : memref<2048x128xf32, #tpu.memory_space<vmem>>, vector<2048x128xf32>
    %slice3A_31 = vector.extract_strided_slice %get3A_30 {offsets = [0, 64], sizes = [2048, 64], strides = [1, 1]} : vector<2048x128xf32> to vector<2048x64xf32>
    %slice3A_32 = vector.extract_strided_slice %get3A_30 {offsets = [0, 0], sizes = [2048, 64], strides = [1, 1]} : vector<2048x128xf32> to vector<2048x64xf32>
    %broadcast_in_dim3A_33 = vector.shape_cast %eq3A_5 : vector<2048x1xi1> to vector<2048x1xi1>
    %broadcast_in_dim3A_34 = vector.broadcast %broadcast_in_dim3A_33 : vector<2048x1xi1> to vector<2048x64xi1>
    %select_n3A_35 = arith.select %broadcast_in_dim3A_34, %slice3A_31, %slice3A_32 : vector<2048x64xi1>, vector<2048x64xf32>
    %get3A_36 = arith.constant 0 : index
    %get3A_37 = arith.constant 0 : index
    %get3A_38 = vector.load %arg6[%get3A_36, %get3A_37] : memref<2048x128xf32, #tpu.memory_space<vmem>>, vector<2048x128xf32>
    %slice3A_39 = vector.extract_strided_slice %get3A_38 {offsets = [0, 64], sizes = [2048, 64], strides = [1, 1]} : vector<2048x128xf32> to vector<2048x64xf32>
    %slice3A_40 = vector.extract_strided_slice %get3A_38 {offsets = [0, 0], sizes = [2048, 64], strides = [1, 1]} : vector<2048x128xf32> to vector<2048x64xf32>
    %broadcast_in_dim3A_41 = vector.shape_cast %eq3A_14 : vector<2048x1xi1> to vector<2048x1xi1>
    %broadcast_in_dim3A_42 = vector.broadcast %broadcast_in_dim3A_41 : vector<2048x1xi1> to vector<2048x64xi1>
    %select_n3A_43 = arith.select %broadcast_in_dim3A_42, %slice3A_39, %slice3A_40 : vector<2048x64xi1>, vector<2048x64xf32>
    %mul3A = arith.mulf %select_n3A, %select_n3A_27 : vector<2048x64xf32>
    %reduce_sum3A = arith.constant dense<0.000000e+00> : vector<2048xf32>
    %reduce_sum3A_44 = vector.multi_reduction <add>, %mul3A, %reduce_sum3A [1] : vector<2048x64xf32> to vector<2048xf32>
    %broadcast_in_dim3A_45 = vector.shape_cast %reduce_sum3A_44 : vector<2048xf32> to vector<2048x1xf32>
    %get3A_46 = arith.constant 0 : index
    %get3A_47 = arith.constant 0 : index
    %get3A_48 = vector.load %arg7[%get3A_46, %get3A_47] : memref<2048x1xf32, #tpu.memory_space<vmem>>, vector<2048x1xf32>
    %add3A = arith.addf %broadcast_in_dim3A_45, %get3A_48 : vector<2048x1xf32>
    %get3A_49 = arith.constant 0 : index
    %get3A_50 = arith.constant 0 : index
    %get3A_51 = vector.load %arg8[%get3A_49, %get3A_50] : memref<2048x1xf32, #tpu.memory_space<vmem>>, vector<2048x1xf32>
    %add3A_52 = arith.addf %add3A, %get3A_51 : vector<2048x1xf32>
    %logistic3A = arith.negf %add3A_52 : vector<2048x1xf32>
    %logistic3A_53 = math.exp %logistic3A : vector<2048x1xf32>
    %logistic3A_54 = arith.constant 1.000000e+00 : f32
    %logistic3A_55 = vector.broadcast %logistic3A_54 : f32 to vector<2048x1xf32>
    %logistic3A_56 = arith.addf %logistic3A_55, %logistic3A_53 : vector<2048x1xf32>
    %logistic3A_57 = arith.divf %logistic3A_55, %logistic3A_56 : vector<2048x1xf32>
    %get3A_58 = arith.constant 0 : index
    %get3A_59 = arith.constant 0 : index
    %get3A_60 = vector.load %arg9[%get3A_58, %get3A_59] : memref<128x64xf32, #tpu.memory_space<vmem>>, vector<64x64xf32>
    %dot_general3A = arith.constant dense<0.000000e+00> : vector<2048x64xf32>
    %dot_general3A_61 = tpu.matmul %select_n3A_35, %get3A_60, %dot_general3A {dimension_numbers = #tpu.dot_dimension_numbers<[1], [0], [0], [1], [0, 0, 1, 1], [], []>, transpose_lhs_hint = false} : vector<2048x64xf32>, vector<64x64xf32>, vector<2048x64xf32> -> vector<2048x64xf32>
    %get3A_62 = arith.constant 64 : index
    %get3A_63 = arith.constant 0 : index
    %get3A_64 = vector.load %arg9[%get3A_62, %get3A_63] : memref<128x64xf32, #tpu.memory_space<vmem>>, vector<64x64xf32>
    %dot_general3A_65 = arith.constant dense<0.000000e+00> : vector<2048x64xf32>
    %dot_general3A_66 = tpu.matmul %select_n3A_43, %get3A_64, %dot_general3A_65 {dimension_numbers = #tpu.dot_dimension_numbers<[1], [0], [0], [1], [0, 0, 1, 1], [], []>, transpose_lhs_hint = false} : vector<2048x64xf32>, vector<64x64xf32>, vector<2048x64xf32> -> vector<2048x64xf32>
    %add3A_67 = arith.addf %dot_general3A_61, %dot_general3A_66 : vector<2048x64xf32>
    %get3A_68 = arith.constant 0 : index
    %get3A_69 = arith.constant 0 : index
    %get3A_70 = vector.load %arg10[%get3A_68, %get3A_69] : memref<1x64xf32, #tpu.memory_space<vmem>>, vector<1x64xf32>
    %add3A_71 = vector.broadcast %get3A_70 : vector<1x64xf32> to vector<2048x64xf32>
    %add3A_72 = arith.addf %add3A_67, %add3A_71 : vector<2048x64xf32>
    %max3A = arith.constant 0.000000e+00 : f32
    %max3A_73 = vector.broadcast %max3A : f32 to vector<2048x64xf32>
    %max3A_74 = arith.maximumf %add3A_72, %max3A_73 : vector<2048x64xf32>
    %get3A_75 = arith.constant 0 : index
    %get3A_76 = arith.constant 0 : index
    %get3A_77 = vector.load %arg11[%get3A_75, %get3A_76] : memref<64x16xf32, #tpu.memory_space<vmem>>, vector<64x16xf32>
    %dot_general3A_78 = arith.constant dense<0.000000e+00> : vector<2048x16xf32>
    %dot_general3A_79 = tpu.matmul %max3A_74, %get3A_77, %dot_general3A_78 {dimension_numbers = #tpu.dot_dimension_numbers<[1], [0], [0], [1], [0, 0, 1, 1], [], []>, transpose_lhs_hint = false} : vector<2048x64xf32>, vector<64x16xf32>, vector<2048x16xf32> -> vector<2048x16xf32>
    %get3A_80 = arith.constant 0 : index
    %get3A_81 = arith.constant 0 : index
    %get3A_82 = vector.load %arg12[%get3A_80, %get3A_81] : memref<1x16xf32, #tpu.memory_space<vmem>>, vector<1x16xf32>
    %add3A_83 = vector.broadcast %get3A_82 : vector<1x16xf32> to vector<2048x16xf32>
    %add3A_84 = arith.addf %dot_general3A_79, %add3A_83 : vector<2048x16xf32>
    %max3A_85 = arith.constant 0.000000e+00 : f32
    %max3A_86 = vector.broadcast %max3A_85 : f32 to vector<2048x16xf32>
    %max3A_87 = arith.maximumf %add3A_84, %max3A_86 : vector<2048x16xf32>
    %get3A_88 = arith.constant 0 : index
    %get3A_89 = arith.constant 0 : index
    %get3A_90 = vector.load %arg13[%get3A_88, %get3A_89] : memref<16x1xf32, #tpu.memory_space<vmem>>, vector<16x1xf32>
    %dot_general3A_91 = arith.constant dense<0.000000e+00> : vector<2048x1xf32>
    %dot_general3A_92 = tpu.matmul %max3A_87, %get3A_90, %dot_general3A_91 {dimension_numbers = #tpu.dot_dimension_numbers<[1], [0], [0], [1], [0, 0, 1, 1], [], []>, transpose_lhs_hint = false} : vector<2048x16xf32>, vector<16x1xf32>, vector<2048x1xf32> -> vector<2048x1xf32>
    %get3A_93 = arith.constant 0 : index
    %get3A_94 = arith.constant 0 : index
    %get3A_95 = vector.load %arg14[%get3A_93, %get3A_94] : memref<1x1xf32, #tpu.memory_space<vmem>>, vector<1x1xf32>
    %add3A_96 = vector.broadcast %get3A_95 : vector<1x1xf32> to vector<2048x1xf32>
    %add3A_97 = arith.addf %dot_general3A_92, %add3A_96 : vector<2048x1xf32>
    %logistic3A_98 = arith.negf %add3A_97 : vector<2048x1xf32>
    %logistic3A_99 = math.exp %logistic3A_98 : vector<2048x1xf32>
    %logistic3A_100 = arith.constant 1.000000e+00 : f32
    %logistic3A_101 = vector.broadcast %logistic3A_100 : f32 to vector<2048x1xf32>
    %logistic3A_102 = arith.addf %logistic3A_101, %logistic3A_99 : vector<2048x1xf32>
    %logistic3A_103 = arith.divf %logistic3A_101, %logistic3A_102 : vector<2048x1xf32>
    %get3A_104 = arith.constant 0 : index
    %get3A_105 = arith.constant 0 : index
    %get3A_106 = vector.load %arg15[%get3A_104, %get3A_105] : memref<2x1xf32, #tpu.memory_space<vmem>>, vector<1x1xf32>
    %get3A_107 = vector.extract %get3A_106[0, 0] : f32 from vector<1x1xf32>
    %mul3A_108 = vector.broadcast %get3A_107 : f32 to vector<2048x1xf32>
    %mul3A_109 = arith.mulf %logistic3A_57, %mul3A_108 : vector<2048x1xf32>
    %get3A_110 = arith.constant 1 : index
    %get3A_111 = arith.constant 0 : index
    %get3A_112 = vector.load %arg15[%get3A_110, %get3A_111] : memref<2x1xf32, #tpu.memory_space<vmem>>, vector<1x1xf32>
    %get3A_113 = vector.extract %get3A_112[0, 0] : f32 from vector<1x1xf32>
    %mul3A_114 = vector.broadcast %get3A_113 : f32 to vector<2048x1xf32>
    %mul3A_115 = arith.mulf %logistic3A_103, %mul3A_114 : vector<2048x1xf32>
    %add3A_116 = arith.addf %mul3A_109, %mul3A_115 : vector<2048x1xf32>
    %get3A_117 = arith.constant 0 : index
    %get3A_118 = arith.constant 0 : index
    %get3A_119 = vector.load %arg16[%get3A_117, %get3A_118] : memref<1x1xf32, #tpu.memory_space<vmem>>, vector<1x1xf32>
    %get3A_120 = vector.extract %get3A_119[0, 0] : f32 from vector<1x1xf32>
    %add3A_121 = vector.broadcast %get3A_120 : f32 to vector<2048x1xf32>
    %add3A_122 = arith.addf %add3A_116, %add3A_121 : vector<2048x1xf32>
    %logistic3A_123 = arith.negf %add3A_122 : vector<2048x1xf32>
    %logistic3A_124 = math.exp %logistic3A_123 : vector<2048x1xf32>
    %logistic3A_125 = arith.constant 1.000000e+00 : f32
    %logistic3A_126 = vector.broadcast %logistic3A_125 : f32 to vector<2048x1xf32>
    %logistic3A_127 = arith.addf %logistic3A_126, %logistic3A_124 : vector<2048x1xf32>
    %logistic3A_128 = arith.divf %logistic3A_126, %logistic3A_127 : vector<2048x1xf32>
    %mul3A_129 = arith.constant 4.500000e+00 : f32
    %mul3A_130 = vector.broadcast %mul3A_129 : f32 to vector<2048x1xf32>
    %mul3A_131 = arith.mulf %logistic3A_128, %mul3A_130 : vector<2048x1xf32>
    %add3A_132 = arith.constant 5.000000e-01 : f32
    %add3A_133 = vector.broadcast %add3A_132 : f32 to vector<2048x1xf32>
    %add3A_134 = arith.addf %mul3A_131, %add3A_133 : vector<2048x1xf32>
    %swap3A = arith.constant 0 : index
    %swap3A_135 = arith.constant 0 : index
    %swap3A_136 = vector.load %arg17[%swap3A, %swap3A_135] : memref<2048x1xf32, #tpu.memory_space<vmem>>, vector<2048x1xf32>
    tpu.vector_store %arg17[%swap3A, %swap3A_135], %add3A_134 {strides = array<i32>} : memref<2048x1xf32, #tpu.memory_space<vmem>>, vector<2048x1xf32>,
    return
  }
  func.func @transform_0(%arg0: i32) -> (i32, i32) {
    %c0_i32 = arith.constant 0 : i32
    %c0_i32_0 = arith.constant 0 : i32
    return %arg0, %c0_i32 : i32, i32
  }
  func.func @transform_1(%arg0: i32) -> (i32, i32) {
    %c0_i32 = arith.constant 0 : i32
    %c0_i32_0 = arith.constant 0 : i32
    return %arg0, %c0_i32 : i32, i32
  }
  func.func @transform_2(%arg0: i32) -> (i32, i32) {
    %c0_i32 = arith.constant 0 : i32
    %c0_i32_0 = arith.constant 0 : i32
    return %arg0, %c0_i32 : i32, i32
  }
  func.func @transform_3(%arg0: i32) -> (i32, i32) {
    %c0_i32 = arith.constant 0 : i32
    %c0_i32_0 = arith.constant 0 : i32
    return %arg0, %c0_i32 : i32, i32
  }
  func.func @transform_4(%arg0: i32) -> (i32, i32) {
    %c0_i32 = arith.constant 0 : i32
    %c0_i32_0 = arith.constant 0 : i32
    return %arg0, %c0_i32 : i32, i32
  }
  func.func @transform_5(%arg0: i32) -> (i32, i32) {
    %c0_i32 = arith.constant 0 : i32
    %c0_i32_0 = arith.constant 0 : i32
    return %arg0, %c0_i32 : i32, i32
  }
  func.func @transform_6(%arg0: i32) -> (i32, i32) {
    %c0_i32 = arith.constant 0 : i32
    %c0_i32_0 = arith.constant 0 : i32
    return %arg0, %c0_i32 : i32, i32
  }
  func.func @transform_7(%arg0: i32) -> (i32, i32) {
    %c0_i32 = arith.constant 0 : i32
    %c0_i32_0 = arith.constant 0 : i32
    return %arg0, %c0_i32 : i32, i32
  }
  func.func @transform_8(%arg0: i32) -> (i32, i32) {
    %c0_i32 = arith.constant 0 : i32
    %c0_i32_0 = arith.constant 0 : i32
    %c0_i32_1 = arith.constant 0 : i32
    return %c0_i32, %c0_i32_0 : i32, i32
  }
  func.func @transform_9(%arg0: i32) -> (i32, i32) {
    %c0_i32 = arith.constant 0 : i32
    %c0_i32_0 = arith.constant 0 : i32
    %c0_i32_1 = arith.constant 0 : i32
    return %c0_i32, %c0_i32_0 : i32, i32
  }
  func.func @transform_10(%arg0: i32) -> (i32, i32) {
    %c0_i32 = arith.constant 0 : i32
    %c0_i32_0 = arith.constant 0 : i32
    %c0_i32_1 = arith.constant 0 : i32
    return %c0_i32, %c0_i32_0 : i32, i32
  }
  func.func @transform_11(%arg0: i32) -> (i32, i32) {
    %c0_i32 = arith.constant 0 : i32
    %c0_i32_0 = arith.constant 0 : i32
    %c0_i32_1 = arith.constant 0 : i32
    return %c0_i32, %c0_i32_0 : i32, i32
  }
  func.func @transform_12(%arg0: i32) -> (i32, i32) {
    %c0_i32 = arith.constant 0 : i32
    %c0_i32_0 = arith.constant 0 : i32
    %c0_i32_1 = arith.constant 0 : i32
    return %c0_i32, %c0_i32_0 : i32, i32
  }
  func.func @transform_13(%arg0: i32) -> (i32, i32) {
    %c0_i32 = arith.constant 0 : i32
    %c0_i32_0 = arith.constant 0 : i32
    %c0_i32_1 = arith.constant 0 : i32
    return %c0_i32, %c0_i32_0 : i32, i32
  }
  func.func @transform_14(%arg0: i32) -> (i32, i32) {
    %c0_i32 = arith.constant 0 : i32
    %c0_i32_0 = arith.constant 0 : i32
    %c0_i32_1 = arith.constant 0 : i32
    return %c0_i32, %c0_i32_0 : i32, i32
  }
  func.func @transform_15(%arg0: i32) -> (i32, i32) {
    %c0_i32 = arith.constant 0 : i32
    %c0_i32_0 = arith.constant 0 : i32
    %c0_i32_1 = arith.constant 0 : i32
    return %c0_i32, %c0_i32_0 : i32, i32
  }
  func.func @transform_16(%arg0: i32) -> (i32, i32) {
    %c0_i32 = arith.constant 0 : i32
    %c0_i32_0 = arith.constant 0 : i32
    return %arg0, %c0_i32 : i32, i32
  }
}

</mosaic_0001>

<sc_bundles>
// kernel: kernel.4.cloned.1.call-start
scs
__scs_entry_jumppad:
0x0: {  	(pc) =	sbr.rel $0x88, $3  }
0x1: {  	(tag) =	ssettag $0x0;
	lr =	simm.s32 $0x1  }
0x2: {  	[smem:$0x3F91] =	sst lr;
	_ =	strace $0xD0000000  }
0x3: {  	_ = 	snop  }
0x4: {  	_ = 	snop  }
0x5: {  	_ = 	snop  }
0x6: {  	_ = 	snop  }
0x7: {  	_ = 	snop  }
__scs_overlays_trampoline_lowered:
0x8: {  	[smem:$0x3FA0] =	sst s0  }
0x9: {  	[smem:$0x3FA1] =	sst s1  }
0xa: {  	[smem:$0x3FA2] =	sst s2  }
0xb: {  	[smem:$0x3FA3] =	sst s3  }
0xc: {  	[smem:$0x3FA4] =	sst s4  }
0xd: {  	[smem:$0x3FA5] =	sst s5  }
0xe: {  	[smem:$0x3FA6] =	sst s6  }
0xf: {  	[smem:$0x3FA7] =	sst s7  }
0x10: {  	[smem:$0x3FA8] =	sst s8  }
0x11: {  	[smem:$0x3FA9] =	sst s9;
	s0 =	simm.s32 @!p0 $0x0  }
0x12: {  	s1 =	sld [smem:$0x3F8F];
	s0 =	simm.s32 @p0 $0x1  }
0x13: {  	[smem:$0x3FAA] =	sst s0;
	s0 =	simm.s32 @!p1 $0x0  }
0x14: {  	s2 =	sld [smem:$0x3F8E];
	s0 =	simm.s32 @p1 $0x1  }
0x15: {  	[smem:$0x3FAB] =	sst s0;
	s0 =	simm.s32 @!p2 $0x0  }
0x16: {  	s3 =	sld [smem:$0x3FDB];
	s0 =	simm.s32 @p2 $0x1  }
0x17: {  	s4 =	simm.s32 $0x1BF5;
	[smem:$0x3FAD] =	sst s0  }
0x18: {  	s0 =	sld [smem:$0x3F90];
	_ =	swait.ge [sflag:s4], $0x0  }
0x19: {  	s7 =	sld [smem:$0x3F91]  }
0x1a: {  	s8 =	sadd.s32 $0xFFFFE003, lr  }
0x1b: {  	s9 =	sadd.s32 $0xFFFFFEF7, lr;
	s5 =	simm.s32 $0xFFFFFFFF;
	p2 =	slt.u32 s8, $0xFFFFF086  }
0x1c: {  	p1 =	slt.u32 s9, $0xF7A;
	s5 =	simm.s32 @!p2 $0x0  }
0x1d: {  	s5 =	simm.s32 @p1 $0x1;
	p0 =	seq.s32 s7, s2  }
0x1e: {  	s7 =	smul.u32 @!p0 $0xF7A, s2;
	p2 =	seq.s32 @!p0 s5, $0x0  }
0x1f: {  	s9 =	smul.u32 $0xF7A, s1;
	s8 =	simm.s32 @!p0 $0x1BF5;
	p2 =	por !p2, p0  }
0x20: {  	[sflag:s8] =	ssyncset.s32 @!p0 $0xFFFFF086;
	s6 =	sadd.s32 @!p0 s3, s7;
	s7 =	simm.s32 @!p0 $0x108  }
0x21: {  	s3 =	sadd.s32 s3, s9;
	s6 =	sadd.s32 @!p0 $0x88, s6;
	s7 =	simm.s32 @p2 $0x1082  }
0x22: {  	[simem:s7], [sflag:s8] =	dma.local @!p0 [hbm:s6], $0xF7A  }
0x23: {  	s9 =	sor.u32 $0xD0000000, s2;
	s6 =	simm.s32 $0x108;
	_ =	swait.ge @!p0 [sflag:s8], $0x0  }
0x24: {  	s3 =	sadd.s32 $0x88, s3;
	s6 =	simm.s32 @!p1 $0x1082;
	[sflag:s4] =	ssyncset.s32 $0xFFFFF086  }
0x25: {  	[simem:s6], [sflag:s4] =	dma.local [hbm:s3], $0xF7A  }
0x26: {  	[smem:$0x3F91] =	sst s1;
	(tag) =	ssettag s2;
	_ =	strace s9  }
0x27: {  	s1 =	sld [smem:$0x3FA1]  }
0x28: {  	s2 =	sld [smem:$0x3FA2]  }
0x29: {  	s4 =	sld [smem:$0x3FA4]  }
0x2a: {  	p0 =	seq.s32 s5, $0x0;
	s5 =	sld [smem:$0x3FA5]  }
0x2b: {  	s6 =	sld [smem:$0x3FA6]  }
0x2c: {  	s7 =	sld [smem:$0x3FA7]  }
0x2d: {  	s3 =	simm.s32 $0x108;
	s8 =	sld [smem:$0x3FA8]  }
0x2e: {  	s3 =	simm.s32 @!p0 $0x1082;
	s9 =	sld [smem:$0x3FA9]  }
0x2f: {  	lr =	sadd.s32 s0, s3;
	s0 =	sld [smem:$0x3FA0]  }
0x30: {  	s3 =	sld [smem:$0x3FA3]  }
0x31: {  	[smem:$0x3FAC] =	sst s10  }
0x32: {  	s10 =	sld [smem:$0x3FAA];
	_ =	sdelay $0x3  }
0x33: {  	p0 =	seq.s32 s10, $0x1;
	s10 =	sld [smem:$0x3FAC];
	_ =	sdelay $0x3  }
0x34: {  	[smem:$0x3FAC] =	sst s10  }
0x35: {  	s10 =	sld [smem:$0x3FAB];
	_ =	sdelay $0x3  }
0x36: {  	p1 =	seq.s32 s10, $0x1;
	s10 =	sld [smem:$0x3FAC];
	_ =	sdelay $0x3  }
0x37: {  	[smem:$0x3FAC] =	sst s10  }
0x38: {  	s10 =	sld [smem:$0x3FAD]  }
0x39: {  	_ = 	snop;
	(pc) =	sbr.ind lr, $3  }
0x3a: {  	_ = 	snop  }
0x3b: {  	_ = 	snop  }
0x3c: {  	p2 =	seq.s32 s10, $0x1;
	s10 =	sld [smem:$0x3FAC]  }
0x3d: {  	_ =	shalt  }
0x3e: {  	_ =	shalt  }
0x3f: {  	_ =	shalt  }
0x40: {  	_ =	shalt  }
0x41: {  	_ =	shalt  }
0x42: {  	_ =	shalt  }
0x43: {  	_ =	shalt  }
0x44: {  	_ =	shalt  }
0x45: {  	_ =	shalt  }
0x46: {  	_ =	shalt  }
0x47: {  	_ =	shalt  }
0x48: {  	_ =	shalt  }
0x49: {  	_ =	shalt  }
0x4a: {  	_ =	shalt  }
0x4b: {  	_ =	shalt  }
0x4c: {  	_ =	shalt  }
0x4d: {  	_ =	shalt  }
0x4e: {  	_ =	shalt  }
0x4f: {  	_ =	shalt  }
0x50: {  	_ =	shalt  }
0x51: {  	_ =	shalt  }
0x52: {  	_ =	shalt  }
0x53: {  	_ =	shalt  }
0x54: {  	_ =	shalt  }
0x55: {  	_ =	shalt  }
0x56: {  	_ =	shalt  }
0x57: {  	_ =	shalt  }
0x58: {  	_ =	shalt  }
0x59: {  	_ =	shalt  }
0x5a: {  	_ =	shalt  }
0x5b: {  	_ =	shalt  }
0x5c: {  	_ =	shalt  }
0x5d: {  	_ =	shalt  }
0x5e: {  	_ =	shalt  }
0x5f: {  	_ =	shalt  }
0x60: {  	_ =	shalt  }
0x61: {  	_ =	shalt  }
0x62: {  	_ =	shalt  }
0x63: {  	_ =	shalt  }
0x64: {  	_ =	shalt  }
0x65: {  	_ =	shalt  }
0x66: {  	_ =	shalt  }
0x67: {  	_ =	shalt  }
0x68: {  	_ =	shalt  }
0x69: {  	_ =	shalt  }
0x6a: {  	_ =	shalt  }
0x6b: {  	_ =	shalt  }
0x6c: {  	_ =	shalt  }
0x6d: {  	_ =	shalt  }
0x6e: {  	_ =	shalt  }
0x6f: {  	_ =	shalt  }
0x70: {  	_ =	shalt  }
0x71: {  	_ =	shalt  }
0x72: {  	_ =	shalt  }
0x73: {  	_ =	shalt  }
0x74: {  	_ =	shalt  }
0x75: {  	_ =	shalt  }
0x76: {  	_ =	shalt  }
0x77: {  	_ =	shalt  }
0x78: {  	_ =	shalt  }
0x79: {  	_ =	shalt  }
0x7a: {  	_ =	shalt  }
0x7b: {  	_ =	shalt  }
0x7c: {  	_ =	shalt  }
0x7d: {  	_ =	shalt  }
0x7e: {  	_ =	shalt  }
0x7f: {  	_ =	shalt  }
0x80: {  	_ =	shalt  }
0x81: {  	_ =	shalt  }
0x82: {  	_ =	shalt  }
0x83: {  	_ =	shalt  }
0x84: {  	_ =	shalt  }
0x85: {  	_ =	shalt  }
0x86: {  	_ =	shalt  }
0x87: {  	_ =	shalt  }
.Lfunc_end0:
.L_simem_size_0:
called_computation_lowered:
.L_overlay_start_0:
0x88: {  	s2 =	sld [smem:$0x3FD9]  }
0x89: {  	s3 =	sld [smem:$0x3FFE];
	_ =	sdelay $0x1  }
0x8a: {  	s1 =	srdreg.scid  }
0x8b: {  	s0 =	sand.u32 $0x1, s1  }
0x8c: {  	s17 =	sshll.u32 s0, $0xA;
	s2 =	sadd.s32 s3, s2  }
0x8d: {  	s2 =	sadd.s32 s2, s17  }
0x8e: {  	[smem:$0x3FB8] =	sst s2  }
0x8f: {  	_ = 	snop  }
0x90: {  	s2 =	sld [smem:$0x3FC9]  }
0x91: {  	s18 =	sld [smem:$0x3FC8]  }
0x92: {  	s4 =	sld [smem:$0x3FD0];
	(tm) =	ssettm $0x1  }
0x93: {  	s5 =	sld [smem:$0x3FFB];
	_ =	sdelay $0x3  }
0x94: {  	_ =	strace s5  }
0x95: {  	s5 =	sld [smem:$0x3FFC];
	_ =	sdelay $0x3  }
0x96: {  	_ =	strace s5  }
0x97: {  	s5 =	sld [smem:$0x3FFD];
	_ =	sdelay $0x3  }
0x98: {  	_ =	strace s5  }
0x99: {  	_ =	strace $0x8FFFFFFF  }
0x9a: {  	s19 =	sld [smem:$0x3FDB];
	_ =	sdelay $0x1  }
0x9b: {  	s6 =	simm.s32 $_scs_section_size  }
0x9c: {  	s7 =	simm.s32 $_size__tile_overlayer_lowered;
	s8 =	simm.s32 $_tile_overlayer_lowered  }
0x9d: {  	s22 =	simm.s32 $0x1BFF;
	s21 =	sshll.u32 s8, $0x1;
	s5 =	sadd.s32 s6, s19  }
0x9e: {  	s9 =	simm.s32 $0x0;
	s20 =	sshll.u32 s7, $0x1;
	s7 =	sadd.s32 s21, s5  }
0x9f: {  	[timem:s9], [sflag:s22] =	dma.local [hbm:s7], s20  }
0xa0: {  	_ =	swait.ge [sflag:s22], s20  }
0xa1: {  	s6 =	ssub.s32 $0x0, s20;
	[sflag:s22] =	ssyncset.done $0x0  }
0xa2: {  	[sflag:s22] =	ssyncadd.s32 s6;
	_ =	sdelay $0x1  }
0xa3: {  	s23 =	simm.s32 $0x1B8B  }
0xa4: {  	_ =	swait.ge [sflag:s23], $0x1  }
0xa5: {  	[sflag:s23] =	ssyncset.done $0x0  }
0xa6: {  	s25 =	simm.s32 $0x1B8E;
	s24 =	sld [smem:$0x3FFE];
	[sflag:s23] =	ssyncadd.s32 $0xFFFFFFFF  }
0xa7: {  	s26 =	simm.s32 $execute0_lowered;
	[smem:$0x3FD2] =	sst s25  }
0xa8: {  	s7 =	sshll.u32 s26, $0x1;
	_ =	strace $0x80000046;
	[dreg:$0x1] =	wrdreg $0xFFFFFFFF  }
0xa9: {  	s28 =	simm.s32 $_size_execute0_lowered;
	s5 =	sadd.s32 s5, s7;
	[dreg:$0x0] =	wrdreg $0x0  }
0xaa: {  	s7 =	sshll.u32 s28, $0x1;
	[dreg:$0x2] =	wrdreg s5  }
0xab: {  	[dreg:$0x3] =	wrdreg s7  }
0xac: {  	[dreg:$0x4] =	wrdreg $0xC0  }
0xad: {  	_ =	task [dreg:s9], $0x5FFFF  }
0xae: {  	[dreg:$0x1] =	wrdreg $0xFFFFFFFF  }
0xaf: {  	[dreg:$0x0] =	wrdreg $0x60  }
0xb0: {  	[dreg:$0x2] =	wrdreg s24  }
0xb1: {  	[dreg:$0x3] =	wrdreg s4  }
0xb2: {  	[dreg:$0x4] =	wrdreg s2  }
0xb3: {  	[dreg:$0x5] =	wrdreg s18  }
0xb4: {  	[dreg:$0x6] =	wrdreg $0x9  }
0xb5: {  	_ =	task.clear_ibuf [dreg:s9], $0x7FFFF;
	_ =	strace $0x90000046  }
0xb6: {  	s29 =	simm.s32 $0x9;
	_ =	strace $0x80000048  }
0xb7: {  	_ =	swait.ge [sflag:s29], $0x1  }
0xb8: {  	[sflag:s29] =	ssyncadd.s32 $0xFFFFFFFF  }
0xb9: {  	_ =	strace $0x90000048  }
0xba: {  	_ =	sfence  }
0xbb: {  	s30 =	sld [smem:$0x0];
	_ =	sdelay $0x2  }
0xbc: {  	s31 =	sshll.u32 s1, $0xD;
	s1 =	sshrl.u32 s1, $0x2  }
0xbd: {  	s3 =	sand.u32 $0x4000, s31;
	s1 =	sadd.s32 s1, s30  }
0xbe: {  	s0 =	sor.u32 s3, s0;
	s1 =	sshll.u32 s1, $0x11  }
0xbf: {  	s0 =	sor.u32 s1, s0  }
0xc0: {  	s0 =	sadd.s32 $0x8F2B, s0  }
0xc1: {  	[sflag:s0] =	ssyncadd.remote.s32 $0x1  }
0xc2: {  	_ =	sfence.sel $0xFFFF  }
0xc3: {  	[dreg:$0x0] =	wrdreg $0xFFFFFFFF;
	(pc) =	sbr.abs _section_cstart, $3  }
0xc4: {  	[dreg:$0x1] =	wrdreg $0xFFFFFFFF  }
0xc5: {  	_ =	task.clear_ibuf [dreg:s9], $0x2FFFF;
	_ =	strace $0x9FFFFFFF  }
0xc6: {  	(tm) =	ssettm $0x7FFFFFFF  }
0xc7: {  	_ =	shalt  }
tec
execute0_lowered:
.L_overlay_start_1:
0x0: {  	(tag) =	ssettag $0x1  }
0x1: {  	s30 =	rddreg [dreg:$0x0]  }
0x2: {  	s3 =	rddreg [dreg:$0x1]  }
0x3: {  	s1 =	srdreg.scid;
	s4 =	rddreg [dreg:$0x2]  }
0x4: {  	s0 =	stileid.u32;
	s5 =	rddreg [dreg:$0x3];
	s2 =	simm.s32 $0x0  }
0x5: {  	s10 =	simm.s32 $0x580;
	s11 =	simm.s32 $0x10980;
	s1 =	sand.u32 $0x1, s1  }
0x6: {  	s6 =	sshll.u32 s0, $0x7;
	[smem:$0x7FF] =	sst s2;
	s7 =	sshll.u32 s1, $0x6  }
0x7: {  	_ =	strace $0x80000047;
	[dreg:$0x17] =	wrdreg s10;
	s6 =	sor.u32 s7, s6  }
0x8: {  	[dreg:$0x18] =	wrdreg s11;
	s3 =	sadd.s32 s3, s6  }
0x9: {  	s14 =	sshll.u32 s0, $0xE;
	s13 =	sadd.s32 s4, s6;
	[dreg:$0x6] =	wrdreg s3  }
0xa: {  	s9 =	sshll.u32 s1, $0xD;
	s15 =	sadd.s32 s5, s6;
	[dreg:$0x7] =	wrdreg s13  }
0xb: {  	s7 =	sadd.s32 s6, s30;
	s6 =	simm.s32 $0x480;
	[dreg:$0x8] =	wrdreg s15  }
0xc: {  	s4 =	sor.u32 s9, s14;
	s9 =	simm.s32 $0x10900;
	[dreg:$0x13] =	wrdreg s6  }
0xd: {  	s12 =	sadd.s32 $0x25000, s30;
	s8 =	sadd.s32 $0x23800, s7;
	[dreg:$0x16] =	wrdreg s9  }
0xe: {  	s18 =	sadd.s32 $0xA5000, s30;
	s16 =	sadd.s32 s12, s4;
	[dreg:$0x5] =	wrdreg s8  }
0xf: {  	s21 =	sadd.s32 $0x65000, s30;
	s20 =	sadd.s32 s18, s4;
	[dreg:$0x9] =	wrdreg s16  }
0x10: {  	s24 =	sadd.s32 $0xE5000, s30;
	s23 =	sadd.s32 s21, s4;
	[dreg:$0xb] =	wrdreg s20  }
0x11: {  	s26 =	sadd.s32 s24, s4;
	[dreg:$0xd] =	wrdreg s23  }
0x12: {  	s17 =	sor.u32 $0x1000, s4;
	s4 =	sadd.s32 $0x24000, s7;
	[dreg:$0xf] =	wrdreg s26  }
0x13: {  	s5 =	sadd.s32 $0x24800, s7;
	[dreg:$0x11] =	wrdreg s4  }
0x14: {  	s7 =	simm.s32 $0x10880;
	[dreg:$0x12] =	wrdreg s5  }
0x15: {  	s13 =	simm.s32 $0x10A80;
	[dreg:$0x14] =	wrdreg s7  }
0x16: {  	s15 =	simm.s32 $0x700;
	[dreg:$0x1a] =	wrdreg s13  }
0x17: {  	s19 =	sadd.s32 s12, s17;
	[dreg:$0x1b] =	wrdreg s15  }
0x18: {  	s22 =	sadd.s32 s18, s17;
	[dreg:$0xa] =	wrdreg s19  }
0x19: {  	s25 =	sadd.s32 s21, s17;
	[dreg:$0xc] =	wrdreg s22  }
0x1a: {  	s0 =	sadd.s32 s24, s17;
	[dreg:$0xe] =	wrdreg s25  }
0x1b: {  	s8 =	simm.s32 $0x500;
	[dreg:$0x10] =	wrdreg s0  }
0x1c: {  	s12 =	simm.s32 $0x680;
	[dreg:$0x15] =	wrdreg s8  }
0x1d: {  	[dreg:$0x19] =	wrdreg s12  }
0x1e: {  	s3 =	simm.s32 $0x4;
	s14 =	rddreg [dreg:$0x5]  }
0x1f: {  	[tilespmem:s2], [sflag:$0x4] =	stream.linear.gather [hbm4b:s14+s2], $0x200, $0x38;
	[tilespmem:$0x10C00] =	vst v63  }
0x20: {  	_ =	swait.ge [sflag:s3], $0x200  }
0x21: {  	[sflag:s3] =	ssyncset.done $0x0  }
0x22: {  	s4 =	simm.s32 $0x200;
	s16 =	rddreg [dreg:$0x6];
	[sflag:s3] =	ssyncadd.s32 $0xFFFFFE00  }
0x23: {  	[tilespmem:s4], [sflag:$0x4] =	stream.linear.gather [hbm4b:s16+s2], $0x200, $0x38;
	[tilespmem:$0x10C00] =	vst v63  }
0x24: {  	_ =	swait.ge [sflag:s3], $0x200  }
0x25: {  	[sflag:s3] =	ssyncset.done $0x0  }
0x26: {  	s18 =	simm.s32 $0x400;
	s17 =	rddreg [dreg:$0x7];
	[sflag:s3] =	ssyncadd.s32 $0xFFFFFE00  }
0x27: {  	[tilespmem:s18], [sflag:$0x4] =	stream.linear.gather [hbm4b:s17+s2], $0x200, $0x38;
	[tilespmem:$0x10C00] =	vst v63  }
0x28: {  	_ =	swait.ge [sflag:s3], $0x200  }
0x29: {  	[sflag:s3] =	ssyncset.done $0x0  }
0x2a: {  	s6 =	simm.s32 $0x600;
	s19 =	rddreg [dreg:$0x8];
	[sflag:s3] =	ssyncadd.s32 $0xFFFFFE00  }
0x2b: {  	[tilespmem:s6], [sflag:$0x4] =	stream.linear.gather [hbm4b:s19+s2], $0x200, $0x38;
	[tilespmem:$0x10C00] =	vst v63  }
0x2c: {  	_ =	swait.ge [sflag:s3], $0x200  }
0x2d: {  	s9 =	simm.s32 $0x10800;
	s10 =	rddreg [dreg:$0x17]  }
0x2e: {  	s7 =	sadd.s32 $0x1C00, s30;
	s11 =	rddreg [dreg:$0x15];
	[sflag:s3] =	ssyncset.done $0x0  }
0x2f: {  	s8 =	simm.s32 $0x80;
	s12 =	rddreg [dreg:$0x13];
	[sflag:s3] =	ssyncadd.s32 $0xFFFFFE00  }
0x30: {  	[tilespmem:s9], [sflag:$0x3] =	stream.indirect.gather [hbm4b:s7+s8], $0x1, s18, s8, $0xb8;
	[tilespmem:$0x10C00] =	vst v63  }
0x31: {  	s13 =	rddreg [dreg:$0x14]  }
0x32: {  	[tilespmem:s13], [sflag:$0x3] =	stream.indirect.gather [hbm4b:s7+s8], $0x1, s12, s8, $0xb8;
	[tilespmem:$0x10C00] =	vst v63  }
0x33: {  	s14 =	rddreg [dreg:$0x16]  }
0x34: {  	[tilespmem:s14], [sflag:$0x3] =	stream.indirect.gather [hbm4b:s7+s8], $0x1, s11, s8, $0xb8;
	[tilespmem:$0x10C00] =	vst v63  }
0x35: {  	s20 =	rddreg [dreg:$0x18]  }
0x36: {  	[tilespmem:s20], [sflag:$0x3] =	stream.indirect.gather [hbm4b:s7+s8], $0x1, s10, s8, $0xb8;
	[tilespmem:$0x10C00] =	vst v63  }
0x37: {  	s21 =	rddreg [dreg:$0x1a];
	s11 =	simm.s32 $0x10A00;
	s10 =	sadd.s32 $0x20600, s30  }
0x38: {  	[tilespmem:s11], [sflag:$0x3] =	stream.indirect.gather [hbm4b:s10+s8], $0x1, s6, s8, $0xb8;
	[tilespmem:$0x10C00] =	vst v63  }
0x39: {  	s22 =	rddreg [dreg:$0x19]  }
0x3a: {  	[tilespmem:s21], [sflag:$0x3] =	stream.indirect.gather [hbm4b:s10+s8], $0x1, s22, s8, $0xb8;
	[tilespmem:$0x10C00] =	vst v63  }
0x3b: {  	s24 =	simm.s32 $0x10B00;
	s23 =	rddreg [dreg:$0x1b]  }
0x3c: {  	[tilespmem:s24], [sflag:$0x3] =	stream.indirect.gather [hbm4b:s10+s8], $0x1, s23, s8, $0xb8;
	[tilespmem:$0x10C00] =	vst v63  }
0x3d: {  	s26 =	simm.s32 $0x10B80;
	s25 =	simm.s32 $0x780  }
0x3e: {  	[tilespmem:s26], [sflag:$0x3] =	stream.indirect.gather [hbm4b:s10+s8], $0x1, s25, s8, $0xb8;
	[tilespmem:$0x10C00] =	vst v63  }
0x3f: {  	s15 =	sadd.s32 $0xF44000, s30;
	s16 =	simm.s32 $0x800  }
0x40: {  	[tilespmem:s16], [sflag:$0x1] =	stream.indirect.gather [hbm4b:s15+s8], $0x80, s2, s8, $0xb8;
	[tilespmem:$0x10C00] =	vst v63  }
0x41: {  	s17 =	simm.s32 $0x4800  }
0x42: {  	[tilespmem:s17], [sflag:$0x1] =	stream.indirect.gather [hbm4b:s15+s8], $0x80, s8, s8, $0xb8;
	[tilespmem:$0x10C00] =	vst v63  }
0x43: {  	s19 =	simm.s32 $0x8800;
	s18 =	simm.s32 $0x100  }
0x44: {  	[tilespmem:s19], [sflag:$0x2] =	stream.indirect.gather [hbm4b:s15+s8], $0x80, s18, s8, $0xb8;
	[tilespmem:$0x10C00] =	vst v63  }
0x45: {  	s20 =	simm.s32 $0x180;
	s21 =	simm.s32 $0xC800;
	s22 =	simm.s32 $0x1  }
0x46: {  	[tilespmem:s21], [sflag:$0x2] =	stream.indirect.gather [hbm4b:s15+s8], $0x80, s20, s8, $0xb8;
	[tilespmem:$0x10C00] =	vst v63  }
0x47: {  	_ =	swait.ge [sflag:s22], $0x4000  }
0x48: {  	[sflag:s22] =	ssyncset.done $0x0  }
0x49: {  	[sflag:s22] =	ssyncadd.s32 $0xFFFFC000  }
0x4a: {  	_ =	swait.ge [sflag:s22], $0x4000  }
0x4b: {  	[sflag:s22] =	ssyncset.done $0x0  }
0x4c: {  	s23 =	rddreg [dreg:$0x9];
	[sflag:s22] =	ssyncadd.s32 $0xFFFFC000  }
0x4d: {  	[hbm4b:s23+s2] =	stream.linear.scatter [tilespmem:s16], [sflag:$0x4], $0x8000, $0x38;
	[tilespmem:$0x10C00] =	vst v63  }
0x4e: {  	_ =	swait.ge [sflag:s3], $0x8000  }
0x4f: {  	[sflag:s3] =	ssyncset.done $0x0  }
0x50: {  	s23 =	sadd.s32 $0x16E5200, s30;
	[sflag:s3] =	ssyncadd.s32 $0xFFFF8000  }
0x51: {  	[tilespmem:s16], [sflag:$0x1] =	stream.indirect.gather [hbm4b:s23+s8], $0x80, s2, s8, $0xb8;
	[tilespmem:$0x10C00] =	vst v63  }
0x52: {  	s24 =	simm.s32 $0x2  }
0x53: {  	[tilespmem:s17], [sflag:$0x1] =	stream.indirect.gather [hbm4b:s23+s8], $0x80, s8, s8, $0xb8;
	[tilespmem:$0x10C00] =	vst v63  }
0x54: {  	_ =	swait.ge [sflag:s24], $0x4000  }
0x55: {  	[sflag:s24] =	ssyncset.done $0x0  }
0x56: {  	[sflag:s24] =	ssyncadd.s32 $0xFFFFC000  }
0x57: {  	_ =	swait.ge [sflag:s24], $0x4000  }
0x58: {  	[sflag:s24] =	ssyncset.done $0x0  }
0x59: {  	s25 =	rddreg [dreg:$0xa];
	[sflag:s24] =	ssyncadd.s32 $0xFFFFC000  }
0x5a: {  	[hbm4b:s25+s2] =	stream.linear.scatter [tilespmem:s19], [sflag:$0x4], $0x8000, $0x38;
	[tilespmem:$0x10C00] =	vst v63  }
0x5b: {  	_ =	swait.ge [sflag:s3], $0x8000  }
0x5c: {  	[sflag:s3] =	ssyncset.done $0x0  }
0x5d: {  	[sflag:s3] =	ssyncadd.s32 $0xFFFF8000  }
0x5e: {  	[tilespmem:s19], [sflag:$0x2] =	stream.indirect.gather [hbm4b:s23+s8], $0x80, s18, s8, $0xb8;
	[tilespmem:$0x10C00] =	vst v63  }
0x5f: {  	_ = 	snop  }
0x60: {  	[tilespmem:s21], [sflag:$0x2] =	stream.indirect.gather [hbm4b:s23+s8], $0x80, s20, s8, $0xb8;
	[tilespmem:$0x10C00] =	vst v63  }
0x61: {  	_ =	swait.ge [sflag:s22], $0x4000  }
0x62: {  	[sflag:s22] =	ssyncset.done $0x0  }
0x63: {  	[sflag:s22] =	ssyncadd.s32 $0xFFFFC000  }
0x64: {  	_ =	swait.ge [sflag:s22], $0x4000  }
0x65: {  	[sflag:s22] =	ssyncset.done $0x0  }
0x66: {  	s5 =	rddreg [dreg:$0xb];
	[sflag:s22] =	ssyncadd.s32 $0xFFFFC000  }
0x67: {  	[hbm4b:s5+s2] =	stream.linear.scatter [tilespmem:s16], [sflag:$0x4], $0x8000, $0x38;
	[tilespmem:$0x10C00] =	vst v63  }
0x68: {  	_ =	swait.ge [sflag:s3], $0x8000  }
0x69: {  	[sflag:s3] =	ssyncset.done $0x0  }
0x6a: {  	s25 =	sadd.s32 $0x188600, s30;
	[sflag:s3] =	ssyncadd.s32 $0xFFFF8000  }
0x6b: {  	[tilespmem:s16], [sflag:$0x1] =	stream.indirect.gather [hbm4b:s25+s8], $0x80, s4, s8, $0xb8;
	[tilespmem:$0x10C00] =	vst v63  }
0x6c: {  	s26 =	simm.s32 $0x280  }
0x6d: {  	[tilespmem:s17], [sflag:$0x1] =	stream.indirect.gather [hbm4b:s25+s8], $0x80, s26, s8, $0xb8;
	[tilespmem:$0x10C00] =	vst v63  }
0x6e: {  	_ =	swait.ge [sflag:s24], $0x4000  }
0x6f: {  	[sflag:s24] =	ssyncset.done $0x0  }
0x70: {  	[sflag:s24] =	ssyncadd.s32 $0xFFFFC000  }
0x71: {  	_ =	swait.ge [sflag:s24], $0x4000  }
0x72: {  	[sflag:s24] =	ssyncset.done $0x0  }
0x73: {  	s28 =	rddreg [dreg:$0xc];
	[sflag:s24] =	ssyncadd.s32 $0xFFFFC000  }
0x74: {  	[hbm4b:s28+s2] =	stream.linear.scatter [tilespmem:s19], [sflag:$0x4], $0x8000, $0x38;
	[tilespmem:$0x10C00] =	vst v63  }
0x75: {  	_ =	swait.ge [sflag:s3], $0x8000  }
0x76: {  	[sflag:s3] =	ssyncset.done $0x0  }
0x77: {  	s28 =	simm.s32 $0x300;
	[sflag:s3] =	ssyncadd.s32 $0xFFFF8000  }
0x78: {  	[tilespmem:s19], [sflag:$0x2] =	stream.indirect.gather [hbm4b:s25+s8], $0x80, s28, s8, $0xb8;
	[tilespmem:$0x10C00] =	vst v63  }
0x79: {  	s29 =	simm.s32 $0x380  }
0x7a: {  	[tilespmem:s21], [sflag:$0x2] =	stream.indirect.gather [hbm4b:s25+s8], $0x80, s29, s8, $0xb8;
	[tilespmem:$0x10C00] =	vst v63  }
0x7b: {  	_ =	swait.ge [sflag:s22], $0x4000  }
0x7c: {  	[sflag:s22] =	ssyncset.done $0x0  }
0x7d: {  	[sflag:s22] =	ssyncadd.s32 $0xFFFFC000  }
0x7e: {  	_ =	swait.ge [sflag:s22], $0x4000  }
0x7f: {  	[sflag:s22] =	ssyncset.done $0x0  }
0x80: {  	s31 =	rddreg [dreg:$0xd];
	[sflag:s22] =	ssyncadd.s32 $0xFFFFC000  }
0x81: {  	[hbm4b:s31+s2] =	stream.linear.scatter [tilespmem:s16], [sflag:$0x4], $0x8000, $0x38;
	[tilespmem:$0x10C00] =	vst v63  }
0x82: {  	_ =	swait.ge [sflag:s3], $0x8000  }
0x83: {  	[sflag:s3] =	ssyncset.done $0x0  }
0x84: {  	s30 =	sadd.s32 $0x24BC00, s30;
	[sflag:s3] =	ssyncadd.s32 $0xFFFF8000  }
0x85: {  	[tilespmem:s16], [sflag:$0x1] =	stream.indirect.gather [hbm4b:s30+s8], $0x80, s4, s8, $0xb8;
	[tilespmem:$0x10C00] =	vst v63  }
0x86: {  	_ = 	snop  }
0x87: {  	[tilespmem:s17], [sflag:$0x1] =	stream.indirect.gather [hbm4b:s30+s8], $0x80, s26, s8, $0xb8;
	[tilespmem:$0x10C00] =	vst v63  }
0x88: {  	_ =	swait.ge [sflag:s24], $0x4000  }
0x89: {  	[sflag:s24] =	ssyncset.done $0x0  }
0x8a: {  	[sflag:s24] =	ssyncadd.s32 $0xFFFFC000  }
0x8b: {  	_ =	swait.ge [sflag:s24], $0x4000  }
0x8c: {  	[sflag:s24] =	ssyncset.done $0x0  }
0x8d: {  	s31 =	rddreg [dreg:$0xe];
	[sflag:s24] =	ssyncadd.s32 $0xFFFFC000  }
0x8e: {  	[hbm4b:s31+s2] =	stream.linear.scatter [tilespmem:s19], [sflag:$0x4], $0x8000, $0x38;
	[tilespmem:$0x10C00] =	vst v63  }
0x8f: {  	_ =	swait.ge [sflag:s3], $0x8000  }
0x90: {  	[sflag:s3] =	ssyncset.done $0x0  }
0x91: {  	[sflag:s3] =	ssyncadd.s32 $0xFFFF8000  }
0x92: {  	[tilespmem:s19], [sflag:$0x2] =	stream.indirect.gather [hbm4b:s30+s8], $0x80, s28, s8, $0xb8;
	[tilespmem:$0x10C00] =	vst v63  }
0x93: {  	_ = 	snop  }
0x94: {  	[tilespmem:s21], [sflag:$0x2] =	stream.indirect.gather [hbm4b:s30+s8], $0x80, s29, s8, $0xb8;
	[tilespmem:$0x10C00] =	vst v63  }
0x95: {  	_ =	swait.ge [sflag:s22], $0x4000  }
0x96: {  	[sflag:s22] =	ssyncset.done $0x0  }
0x97: {  	[sflag:s22] =	ssyncadd.s32 $0xFFFFC000  }
0x98: {  	_ =	swait.ge [sflag:s22], $0x4000  }
0x99: {  	[sflag:s22] =	ssyncset.done $0x0  }
0x9a: {  	s31 =	rddreg [dreg:$0xf];
	[sflag:s22] =	ssyncadd.s32 $0xFFFFC000  }
0x9b: {  	[hbm4b:s31+s2] =	stream.linear.scatter [tilespmem:s16], [sflag:$0x4], $0x8000, $0x38;
	[tilespmem:$0x10C00] =	vst v63  }
0x9c: {  	_ =	swait.ge [sflag:s3], $0x8000  }
0x9d: {  	[sflag:s3] =	ssyncset.done $0x0  }
0x9e: {  	[sflag:s3] =	ssyncadd.s32 $0xFFFF8000  }
0x9f: {  	_ =	swait.ge [sflag:s24], $0x4000  }
0xa0: {  	[sflag:s24] =	ssyncset.done $0x0  }
0xa1: {  	[sflag:s24] =	ssyncadd.s32 $0xFFFFC000  }
0xa2: {  	_ =	swait.ge [sflag:s24], $0x4000  }
0xa3: {  	[sflag:s24] =	ssyncset.done $0x0  }
0xa4: {  	s31 =	rddreg [dreg:$0x10];
	[sflag:s24] =	ssyncadd.s32 $0xFFFFC000  }
0xa5: {  	[hbm4b:s31+s2] =	stream.linear.scatter [tilespmem:s19], [sflag:$0x4], $0x8000, $0x38;
	[tilespmem:$0x10C00] =	vst v63  }
0xa6: {  	_ =	swait.ge [sflag:s3], $0x8000  }
0xa7: {  	[sflag:s3] =	ssyncset.done $0x0  }
0xa8: {  	s31 =	simm.s32 $0x3;
	[sflag:s3] =	ssyncadd.s32 $0xFFFF8000  }
0xa9: {  	_ =	swait.ge [sflag:s31], $0x80  }
0xaa: {  	[sflag:s31] =	ssyncset.done $0x0  }
0xab: {  	[sflag:s31] =	ssyncadd.s32 $0xFFFFFF80  }
0xac: {  	_ =	swait.ge [sflag:s31], $0x80  }
0xad: {  	[sflag:s31] =	ssyncset.done $0x0  }
0xae: {  	[sflag:s31] =	ssyncadd.s32 $0xFFFFFF80  }
0xaf: {  	_ =	swait.ge [sflag:s31], $0x80  }
0xb0: {  	[sflag:s31] =	ssyncset.done $0x0  }
0xb1: {  	[sflag:s31] =	ssyncadd.s32 $0xFFFFFF80  }
0xb2: {  	_ =	swait.ge [sflag:s31], $0x80  }
0xb3: {  	[sflag:s31] =	ssyncset.done $0x0  }
0xb4: {  	[sflag:s31] =	ssyncadd.s32 $0xFFFFFF80  }
0xb5: {  	_ =	swait.ge [sflag:s31], $0x80  }
0xb6: {  	[sflag:s31] =	ssyncset.done $0x0  }
0xb7: {  	[sflag:s31] =	ssyncadd.s32 $0xFFFFFF80  }
0xb8: {  	_ =	swait.ge [sflag:s31], $0x80  }
0xb9: {  	[sflag:s31] =	ssyncset.done $0x0  }
0xba: {  	[sflag:s31] =	ssyncadd.s32 $0xFFFFFF80  }
0xbb: {  	_ =	swait.ge [sflag:s31], $0x80  }
0xbc: {  	s13 =	ssub.s32 $0x2, s1;
	[sflag:s31] =	ssyncset.done $0x0  }
0xbd: {  	s1 =	sshrl.u32 s13, $0x1;
	[sflag:s31] =	ssyncadd.s32 $0xFFFFFF80  }
0xbe: {  	s0 =	ssub.s32 s13, s1;
	_ =	swait.ge [sflag:s31], $0x80  }
0xbf: {  	s0 =	smax.u32 s0, $0x1;
	[sflag:s31] =	ssyncset.done $0x0  }
0xc0: {  	p0 =	sne.s32 s0, $0x1;
	s12 =	rddreg [dreg:$0x11];
	[sflag:s31] =	ssyncadd.s32 $0xFFFFFF80  }
0xc1: {  	[hbm4b:s12+s2] =	stream.linear.scatter [tilespmem:s9], [sflag:$0x4], $0x200, $0x38;
	[tilespmem:$0x10C00] =	vst v63  }
.Ltmp0:
0xc2: {  	_ = 	snop;
	(pc) =	sbr.rel @!p0 .LBB2_2-.Ltmp0, $4  }
0xc3: {  	_ =	swait.ge [sflag:s3], $0x200  }
0xc4: {  	[sflag:s3] =	ssyncset.done $0x0  }
0xc5: {  	s1 =	sadd.s32 $0xFFFFFFFF, s0;
	s14 =	rddreg [dreg:$0x12];
	[sflag:s3] =	ssyncadd.s32 $0xFFFFFE00  }
0xc6: {  	[hbm4b:s14+s2] =	stream.linear.scatter [tilespmem:s11], [sflag:$0x4], $0x200, $0x38;
	[tilespmem:$0x10C00] =	vst v63  }
.LBB2_1:
0xc7: {  	_ =	swait.ge [sflag:s3], $0x200  }
0xc8: {  	[sflag:s3] =	ssyncset.done $0x0  }
0xc9: {  	s0 =	rddreg [dreg:$0x5];
	[sflag:s3] =	ssyncadd.s32 $0xFFFFFE00  }
0xca: {  	[tilespmem:s2], [sflag:$0x4] =	stream.linear.gather [hbm4b:s0+s2], $0x200, $0x38;
	[tilespmem:$0x10C00] =	vst v63  }
0xcb: {  	_ =	swait.ge [sflag:s3], $0x200  }
0xcc: {  	[sflag:s3] =	ssyncset.done $0x0  }
0xcd: {  	s5 =	rddreg [dreg:$0x6];
	[sflag:s3] =	ssyncadd.s32 $0xFFFFFE00  }
0xce: {  	[tilespmem:s4], [sflag:$0x4] =	stream.linear.gather [hbm4b:s5+s2], $0x200, $0x38;
	[tilespmem:$0x10C00] =	vst v63  }
0xcf: {  	_ =	swait.ge [sflag:s3], $0x200  }
0xd0: {  	[sflag:s3] =	ssyncset.done $0x0  }
0xd1: {  	s5 =	simm.s32 $0x400;
	s12 =	rddreg [dreg:$0x7];
	[sflag:s3] =	ssyncadd.s32 $0xFFFFFE00  }
0xd2: {  	[tilespmem:s5], [sflag:$0x4] =	stream.linear.gather [hbm4b:s12+s2], $0x200, $0x38;
	[tilespmem:$0x10C00] =	vst v63  }
0xd3: {  	_ =	swait.ge [sflag:s3], $0x200  }
0xd4: {  	[sflag:s3] =	ssyncset.done $0x0  }
0xd5: {  	s13 =	rddreg [dreg:$0x8];
	[sflag:s3] =	ssyncadd.s32 $0xFFFFFE00  }
0xd6: {  	[tilespmem:s6], [sflag:$0x4] =	stream.linear.gather [hbm4b:s13+s2], $0x200, $0x38;
	[tilespmem:$0x10C00] =	vst v63  }
0xd7: {  	_ =	swait.ge [sflag:s3], $0x200  }
0xd8: {  	s0 =	rddreg [dreg:$0x17]  }
0xd9: {  	[sflag:s3] =	ssyncset.done $0x0;
	s12 =	rddreg [dreg:$0x15]  }
0xda: {  	s13 =	rddreg [dreg:$0x13];
	[sflag:s3] =	ssyncadd.s32 $0xFFFFFE00  }
0xdb: {  	[tilespmem:s9], [sflag:$0x3] =	stream.indirect.gather [hbm4b:s7+s8], $0x1, s5, s8, $0xb8;
	[tilespmem:$0x10C00] =	vst v63  }
0xdc: {  	s14 =	rddreg [dreg:$0x14]  }
0xdd: {  	[tilespmem:s14], [sflag:$0x3] =	stream.indirect.gather [hbm4b:s7+s8], $0x1, s13, s8, $0xb8;
	[tilespmem:$0x10C00] =	vst v63  }
0xde: {  	s5 =	rddreg [dreg:$0x16]  }
0xdf: {  	[tilespmem:s5], [sflag:$0x3] =	stream.indirect.gather [hbm4b:s7+s8], $0x1, s12, s8, $0xb8;
	[tilespmem:$0x10C00] =	vst v63  }
0xe0: {  	s13 =	rddreg [dreg:$0x18]  }
0xe1: {  	[tilespmem:s13], [sflag:$0x3] =	stream.indirect.gather [hbm4b:s7+s8], $0x1, s0, s8, $0xb8;
	[tilespmem:$0x10C00] =	vst v63  }
0xe2: {  	s14 =	rddreg [dreg:$0x1a]  }
0xe3: {  	[tilespmem:s11], [sflag:$0x3] =	stream.indirect.gather [hbm4b:s10+s8], $0x1, s6, s8, $0xb8;
	[tilespmem:$0x10C00] =	vst v63  }
0xe4: {  	s12 =	rddreg [dreg:$0x19]  }
0xe5: {  	[tilespmem:s14], [sflag:$0x3] =	stream.indirect.gather [hbm4b:s10+s8], $0x1, s12, s8, $0xb8;
	[tilespmem:$0x10C00] =	vst v63  }
0xe6: {  	s13 =	rddreg [dreg:$0x1b];
	s14 =	simm.s32 $0x10B00  }
0xe7: {  	[tilespmem:s14], [sflag:$0x3] =	stream.indirect.gather [hbm4b:s10+s8], $0x1, s13, s8, $0xb8;
	[tilespmem:$0x10C00] =	vst v63  }
0xe8: {  	s5 =	simm.s32 $0x780;
	s12 =	simm.s32 $0x10B80  }
0xe9: {  	[tilespmem:s12], [sflag:$0x3] =	stream.indirect.gather [hbm4b:s10+s8], $0x1, s5, s8, $0xb8;
	[tilespmem:$0x10C00] =	vst v63  }
0xea: {  	_ = 	snop  }
0xeb: {  	[tilespmem:s16], [sflag:$0x1] =	stream.indirect.gather [hbm4b:s15+s8], $0x80, s2, s8, $0xb8;
	[tilespmem:$0x10C00] =	vst v63  }
0xec: {  	_ = 	snop  }
0xed: {  	[tilespmem:s17], [sflag:$0x1] =	stream.indirect.gather [hbm4b:s15+s8], $0x80, s8, s8, $0xb8;
	[tilespmem:$0x10C00] =	vst v63  }
0xee: {  	_ = 	snop  }
0xef: {  	[tilespmem:s19], [sflag:$0x2] =	stream.indirect.gather [hbm4b:s15+s8], $0x80, s18, s8, $0xb8;
	[tilespmem:$0x10C00] =	vst v63  }
0xf0: {  	_ = 	snop  }
0xf1: {  	[tilespmem:s21], [sflag:$0x2] =	stream.indirect.gather [hbm4b:s15+s8], $0x80, s20, s8, $0xb8;
	[tilespmem:$0x10C00] =	vst v63  }
0xf2: {  	_ =	swait.ge [sflag:s22], $0x4000  }
0xf3: {  	[sflag:s22] =	ssyncset.done $0x0  }
0xf4: {  	[sflag:s22] =	ssyncadd.s32 $0xFFFFC000  }
0xf5: {  	_ =	swait.ge [sflag:s22], $0x4000  }
0xf6: {  	[sflag:s22] =	ssyncset.done $0x0  }
0xf7: {  	s13 =	rddreg [dreg:$0x9];
	[sflag:s22] =	ssyncadd.s32 $0xFFFFC000  }
0xf8: {  	[hbm4b:s13+s2] =	stream.linear.scatter [tilespmem:s16], [sflag:$0x4], $0x8000, $0x38;
	[tilespmem:$0x10C00] =	vst v63  }
0xf9: {  	_ =	swait.ge [sflag:s3], $0x8000  }
0xfa: {  	[sflag:s3] =	ssyncset.done $0x0  }
0xfb: {  	[sflag:s3] =	ssyncadd.s32 $0xFFFF8000  }
0xfc: {  	[tilespmem:s16], [sflag:$0x1] =	stream.indirect.gather [hbm4b:s23+s8], $0x80, s2, s8, $0xb8;
	[tilespmem:$0x10C00] =	vst v63  }
0xfd: {  	_ = 	snop  }
0xfe: {  	[tilespmem:s17], [sflag:$0x1] =	stream.indirect.gather [hbm4b:s23+s8], $0x80, s8, s8, $0xb8;
	[tilespmem:$0x10C00] =	vst v63  }
0xff: {  	_ =	swait.ge [sflag:s24], $0x4000  }
0x100: {  	[sflag:s24] =	ssyncset.done $0x0  }
0x101: {  	[sflag:s24] =	ssyncadd.s32 $0xFFFFC000  }
0x102: {  	_ =	swait.ge [sflag:s24], $0x4000  }
0x103: {  	[sflag:s24] =	ssyncset.done $0x0  }
0x104: {  	s14 =	rddreg [dreg:$0xa];
	[sflag:s24] =	ssyncadd.s32 $0xFFFFC000  }
0x105: {  	[hbm4b:s14+s2] =	stream.linear.scatter [tilespmem:s19], [sflag:$0x4], $0x8000, $0x38;
	[tilespmem:$0x10C00] =	vst v63  }
0x106: {  	_ =	swait.ge [sflag:s3], $0x8000  }
0x107: {  	[sflag:s3] =	ssyncset.done $0x0  }
0x108: {  	[sflag:s3] =	ssyncadd.s32 $0xFFFF8000  }
0x109: {  	[tilespmem:s19], [sflag:$0x2] =	stream.indirect.gather [hbm4b:s23+s8], $0x80, s18, s8, $0xb8;
	[tilespmem:$0x10C00] =	vst v63  }
0x10a: {  	_ = 	snop  }
0x10b: {  	[tilespmem:s21], [sflag:$0x2] =	stream.indirect.gather [hbm4b:s23+s8], $0x80, s20, s8, $0xb8;
	[tilespmem:$0x10C00] =	vst v63  }
0x10c: {  	_ =	swait.ge [sflag:s22], $0x4000  }
0x10d: {  	[sflag:s22] =	ssyncset.done $0x0  }
0x10e: {  	[sflag:s22] =	ssyncadd.s32 $0xFFFFC000  }
0x10f: {  	_ =	swait.ge [sflag:s22], $0x4000  }
0x110: {  	[sflag:s22] =	ssyncset.done $0x0  }
0x111: {  	s5 =	rddreg [dreg:$0xb];
	[sflag:s22] =	ssyncadd.s32 $0xFFFFC000  }
0x112: {  	[hbm4b:s5+s2] =	stream.linear.scatter [tilespmem:s16], [sflag:$0x4], $0x8000, $0x38;
	[tilespmem:$0x10C00] =	vst v63  }
0x113: {  	_ =	swait.ge [sflag:s3], $0x8000  }
0x114: {  	[sflag:s3] =	ssyncset.done $0x0  }
0x115: {  	[sflag:s3] =	ssyncadd.s32 $0xFFFF8000  }
0x116: {  	[tilespmem:s16], [sflag:$0x1] =	stream.indirect.gather [hbm4b:s25+s8], $0x80, s4, s8, $0xb8;
	[tilespmem:$0x10C00] =	vst v63  }
0x117: {  	_ = 	snop  }
0x118: {  	[tilespmem:s17], [sflag:$0x1] =	stream.indirect.gather [hbm4b:s25+s8], $0x80, s26, s8, $0xb8;
	[tilespmem:$0x10C00] =	vst v63  }
0x119: {  	_ =	swait.ge [sflag:s24], $0x4000  }
0x11a: {  	[sflag:s24] =	ssyncset.done $0x0  }
0x11b: {  	[sflag:s24] =	ssyncadd.s32 $0xFFFFC000  }
0x11c: {  	_ =	swait.ge [sflag:s24], $0x4000  }
0x11d: {  	[sflag:s24] =	ssyncset.done $0x0  }
0x11e: {  	s12 =	rddreg [dreg:$0xc];
	[sflag:s24] =	ssyncadd.s32 $0xFFFFC000  }
0x11f: {  	[hbm4b:s12+s2] =	stream.linear.scatter [tilespmem:s19], [sflag:$0x4], $0x8000, $0x38;
	[tilespmem:$0x10C00] =	vst v63  }
0x120: {  	_ =	swait.ge [sflag:s3], $0x8000  }
0x121: {  	[sflag:s3] =	ssyncset.done $0x0  }
0x122: {  	[sflag:s3] =	ssyncadd.s32 $0xFFFF8000  }
0x123: {  	[tilespmem:s19], [sflag:$0x2] =	stream.indirect.gather [hbm4b:s25+s8], $0x80, s28, s8, $0xb8;
	[tilespmem:$0x10C00] =	vst v63  }
0x124: {  	_ = 	snop  }
0x125: {  	[tilespmem:s21], [sflag:$0x2] =	stream.indirect.gather [hbm4b:s25+s8], $0x80, s29, s8, $0xb8;
	[tilespmem:$0x10C00] =	vst v63  }
0x126: {  	_ =	swait.ge [sflag:s22], $0x4000  }
0x127: {  	[sflag:s22] =	ssyncset.done $0x0  }
0x128: {  	[sflag:s22] =	ssyncadd.s32 $0xFFFFC000  }
0x129: {  	_ =	swait.ge [sflag:s22], $0x4000  }
0x12a: {  	[sflag:s22] =	ssyncset.done $0x0  }
0x12b: {  	s13 =	rddreg [dreg:$0xd];
	[sflag:s22] =	ssyncadd.s32 $0xFFFFC000  }
0x12c: {  	[hbm4b:s13+s2] =	stream.linear.scatter [tilespmem:s16], [sflag:$0x4], $0x8000, $0x38;
	[tilespmem:$0x10C00] =	vst v63  }
0x12d: {  	_ =	swait.ge [sflag:s3], $0x8000  }
0x12e: {  	[sflag:s3] =	ssyncset.done $0x0  }
0x12f: {  	[sflag:s3] =	ssyncadd.s32 $0xFFFF8000  }
0x130: {  	[tilespmem:s16], [sflag:$0x1] =	stream.indirect.gather [hbm4b:s30+s8], $0x80, s4, s8, $0xb8;
	[tilespmem:$0x10C00] =	vst v63  }
0x131: {  	_ = 	snop  }
0x132: {  	[tilespmem:s17], [sflag:$0x1] =	stream.indirect.gather [hbm4b:s30+s8], $0x80, s26, s8, $0xb8;
	[tilespmem:$0x10C00] =	vst v63  }
0x133: {  	_ =	swait.ge [sflag:s24], $0x4000  }
0x134: {  	[sflag:s24] =	ssyncset.done $0x0  }
0x135: {  	[sflag:s24] =	ssyncadd.s32 $0xFFFFC000  }
0x136: {  	_ =	swait.ge [sflag:s24], $0x4000  }
0x137: {  	[sflag:s24] =	ssyncset.done $0x0  }
0x138: {  	s14 =	rddreg [dreg:$0xe];
	[sflag:s24] =	ssyncadd.s32 $0xFFFFC000  }
0x139: {  	[hbm4b:s14+s2] =	stream.linear.scatter [tilespmem:s19], [sflag:$0x4], $0x8000, $0x38;
	[tilespmem:$0x10C00] =	vst v63  }
0x13a: {  	_ =	swait.ge [sflag:s3], $0x8000  }
0x13b: {  	[sflag:s3] =	ssyncset.done $0x0  }
0x13c: {  	[sflag:s3] =	ssyncadd.s32 $0xFFFF8000  }
0x13d: {  	[tilespmem:s19], [sflag:$0x2] =	stream.indirect.gather [hbm4b:s30+s8], $0x80, s28, s8, $0xb8;
	[tilespmem:$0x10C00] =	vst v63  }
0x13e: {  	_ = 	snop  }
0x13f: {  	[tilespmem:s21], [sflag:$0x2] =	stream.indirect.gather [hbm4b:s30+s8], $0x80, s29, s8, $0xb8;
	[tilespmem:$0x10C00] =	vst v63  }
0x140: {  	_ =	swait.ge [sflag:s22], $0x4000  }
0x141: {  	[sflag:s22] =	ssyncset.done $0x0  }
0x142: {  	[sflag:s22] =	ssyncadd.s32 $0xFFFFC000  }
0x143: {  	_ =	swait.ge [sflag:s22], $0x4000  }
0x144: {  	[sflag:s22] =	ssyncset.done $0x0  }
0x145: {  	s5 =	rddreg [dreg:$0xf];
	[sflag:s22] =	ssyncadd.s32 $0xFFFFC000  }
0x146: {  	[hbm4b:s5+s2] =	stream.linear.scatter [tilespmem:s16], [sflag:$0x4], $0x8000, $0x38;
	[tilespmem:$0x10C00] =	vst v63  }
0x147: {  	_ =	swait.ge [sflag:s3], $0x8000  }
0x148: {  	[sflag:s3] =	ssyncset.done $0x0  }
0x149: {  	[sflag:s3] =	ssyncadd.s32 $0xFFFF8000  }
0x14a: {  	_ =	swait.ge [sflag:s24], $0x4000  }
0x14b: {  	[sflag:s24] =	ssyncset.done $0x0  }
0x14c: {  	[sflag:s24] =	ssyncadd.s32 $0xFFFFC000  }
0x14d: {  	_ =	swait.ge [sflag:s24], $0x4000  }
0x14e: {  	[sflag:s24] =	ssyncset.done $0x0  }
0x14f: {  	s12 =	rddreg [dreg:$0x10];
	[sflag:s24] =	ssyncadd.s32 $0xFFFFC000  }
0x150: {  	[hbm4b:s12+s2] =	stream.linear.scatter [tilespmem:s19], [sflag:$0x4], $0x8000, $0x38;
	[tilespmem:$0x10C00] =	vst v63  }
0x151: {  	_ =	swait.ge [sflag:s3], $0x8000  }
0x152: {  	[sflag:s3] =	ssyncset.done $0x0  }
0x153: {  	[sflag:s3] =	ssyncadd.s32 $0xFFFF8000  }
0x154: {  	_ =	swait.ge [sflag:s31], $0x80  }
0x155: {  	[sflag:s31] =	ssyncset.done $0x0  }
0x156: {  	[sflag:s31] =	ssyncadd.s32 $0xFFFFFF80  }
0x157: {  	_ =	swait.ge [sflag:s31], $0x80  }
0x158: {  	[sflag:s31] =	ssyncset.done $0x0  }
0x159: {  	[sflag:s31] =	ssyncadd.s32 $0xFFFFFF80  }
0x15a: {  	_ =	swait.ge [sflag:s31], $0x80  }
0x15b: {  	[sflag:s31] =	ssyncset.done $0x0  }
0x15c: {  	[sflag:s31] =	ssyncadd.s32 $0xFFFFFF80  }
0x15d: {  	_ =	swait.ge [sflag:s31], $0x80  }
0x15e: {  	[sflag:s31] =	ssyncset.done $0x0  }
0x15f: {  	[sflag:s31] =	ssyncadd.s32 $0xFFFFFF80  }
0x160: {  	_ =	swait.ge [sflag:s31], $0x80  }
0x161: {  	[sflag:s31] =	ssyncset.done $0x0  }
0x162: {  	[sflag:s31] =	ssyncadd.s32 $0xFFFFFF80  }
0x163: {  	_ =	swait.ge [sflag:s31], $0x80  }
0x164: {  	[sflag:s31] =	ssyncset.done $0x0  }
0x165: {  	[sflag:s31] =	ssyncadd.s32 $0xFFFFFF80  }
0x166: {  	_ =	swait.ge [sflag:s31], $0x80  }
0x167: {  	[sflag:s31] =	ssyncset.done $0x0  }
0x168: {  	[sflag:s31] =	ssyncadd.s32 $0xFFFFFF80  }
0x169: {  	_ =	swait.ge [sflag:s31], $0x80  }
0x16a: {  	[sflag:s31] =	ssyncset.done $0x0  }
0x16b: {  	p0 =	sne.s32 s1, $0x1;
	s13 =	rddreg [dreg:$0x11];
	[sflag:s31] =	ssyncadd.s32 $0xFFFFFF80  }
0x16c: {  	[hbm4b:s13+s2] =	stream.linear.scatter [tilespmem:s9], [sflag:$0x4], $0x200, $0x38;
	[tilespmem:$0x10C00] =	vst v63  }
.Ltmp1:
0x16d: {  	_ = 	snop;
	(pc) =	sbr.rel @p0 .LBB2_1-.Ltmp1, $4  }
0x16e: {  	_ =	swait.ge [sflag:s3], $0x200  }
0x16f: {  	[sflag:s3] =	ssyncset.done $0x0  }
0x170: {  	s1 =	sadd.s32 $0xFFFFFFFF, s1;
	s14 =	rddreg [dreg:$0x12];
	[sflag:s3] =	ssyncadd.s32 $0xFFFFFE00  }
0x171: {  	[hbm4b:s14+s2] =	stream.linear.scatter [tilespmem:s11], [sflag:$0x4], $0x200, $0x38;
	[tilespmem:$0x10C00] =	vst v63  }
.LBB2_2:
0x172: {  	_ =	swait.ge [sflag:s3], $0x200  }
0x173: {  	[sflag:s3] =	ssyncset.done $0x0  }
0x174: {  	[sflag:s3] =	ssyncadd.s32 $0xFFFFFE00  }
0x175: {  	_ =	sfence.sel $0x180000  }
0x176: {  	[bflag:$0x0] =	sbarrier.arrive $0xFFFF  }
0x177: {  	_ =	strace $0x90000047  }
0x178: {  	s0 =	stileid.u32;
	[bflag:$0x2] =	sbarrier.arrive $0xFFFF  }
0x179: {  	p0 =	sne.s32 s0, $0x0;
	s0 =	rddreg [dreg:$0x4]  }
0x17a: {  	s0 =	sadd.s32 @!p0 $0x100000, s0  }
0x17b: {  	[sflag:s0] =	ssyncadd.tile.s32 @!p0 $0x1;
	_ =	shalt  }
.Lfunc_end2:
_tile_overlayer_lowered:
.L_overlay_start_2:
0x17c: {  	(tag) =	ssettag $0x2  }
0x17d: {  	s0 =	rddreg [dreg:$0x0];
	s2 =	stileid.u32  }
0x17e: {  	s1 =	rddreg [dreg:$0x1];
	p0 =	sne.s32 s2, $0x0  }
0x17f: {  	s3 =	rddreg [dreg:$0x2];
	[bflag:$0x3] =	sbarrier.arrive $0xFFFF;
	s2 =	simm.s32 @!p0 $0x1C04  }
0x180: {  	[timem:s3], [sflag:s2] =	dma.local @!p0 [hbm:s0], s1  }
0x181: {  	s0 =	simm.s32 @!p0 $0x4  }
0x182: {  	_ =	swait.ge @!p0 [sflag:s0], s1  }
0x183: {  	s1 =	ssub.s32 @!p0 $0x0, s1;
	[sflag:s0] =	ssyncset.done @!p0 $0x0  }
0x184: {  	[sflag:s0] =	ssyncadd.s32 @!p0 s1  }
0x185: {  	[bflag:$0x3] =	sbarrier.arrive $0xFFFF  }
0x186: {  	_ =	shalt  }

</sc_bundles>
